<compile_context>
chip_gen: v7x
topology: tpu7x:2x2x1
jax: 0.10.2.dev20260603
libtpu: 0.0.44.dev20260713+nightly
codegen_flags: <defaults>
</compile_context>

<pallas_src>
import dataclasses
import functools

import jax
import jax.numpy as jnp
from jax import lax
from jax.experimental import pallas as pl
from jax.experimental.pallas import tpu as pltpu
from jax.experimental.pallas import tpu_sc as plsc

N = 10000
D = 128
R = 10240
E = 320000
NC, NS = 2, 16
NW = NC * NS
CH = 128
NCHUNK = 79
E_W = NCHUNK * CH
E_PAD = NW * E_W
ROWS_SUB = R // NS
HR = R // 128

f32 = jnp.float32
i32 = jnp.int32

_mesh = plsc.VectorSubcoreMesh(core_axis_name="c", subcore_axis_name="s")
_cp = pltpu.CompilerParams()
if "needs_layout_passes" in pltpu.CompilerParams.__dataclass_fields__:
    _cp = dataclasses.replace(_cp, needs_layout_passes=False)


@functools.partial(
    pl.kernel,
    out_type=jax.ShapeDtypeStruct((NW * HR, 128), f32),
    mesh=_mesh,
    compiler_params=_cp,
    scratch_types=[
        pltpu.VMEM((E_W,), i32),
        pltpu.VMEM((HR, 128), f32),
    ],
)
def _deg_kernel(dst_hbm, o_hbm, idx_v, deg_v):
    c = lax.axis_index("c")
    s = lax.axis_index("s")
    wid = c * NS + s

    @pl.loop(0, HR)
    def _(r):
        for k in range(8):
            deg_v[r, pl.ds(k * 16, 16)] = jnp.zeros((16,), f32)

    pltpu.sync_copy(dst_hbm.at[pl.ds(pl.multiple_of(wid * E_W, 128), E_W)],
                    idx_v)

    @pl.loop(0, E_W // 16)
    def _(k):
        idx16 = idx_v[pl.ds(k * 16, 16)]
        plsc.addupdate_scatter(deg_v, [idx16 >> 7, idx16 & 127],
                               jnp.ones((16,), f32))

    pltpu.sync_copy(deg_v, o_hbm.at[pl.ds(pl.multiple_of(wid * HR, 8), HR)])


@functools.partial(
    pl.kernel,
    out_type=jax.ShapeDtypeStruct((NC, R, D), f32),
    mesh=_mesh,
    scratch_types=[
        pltpu.VMEM((CH,), i32),
        pltpu.VMEM((CH,), i32),
        pltpu.VMEM((CH, D), f32),
        pltpu.VMEM_SHARED((R, D), f32),
    ],
)
def _agg_kernel(hs_hbm, src_hbm, dst_hbm, p_hbm,
                src_v, dst_v, rows_v, acc):
    c = lax.axis_index("c")
    s = lax.axis_index("s")
    wid = c * NS + s
    r0 = pl.multiple_of(s * ROWS_SUB, 8)

    @pl.loop(0, CH)
    def _(r):
        for k in range(D // 16):
            rows_v[r, pl.ds(k * 16, 16)] = jnp.zeros((16,), f32)

    @pl.loop(0, ROWS_SUB // CH)
    def _(t):
        pltpu.sync_copy(rows_v, acc.at[pl.ds(r0 + t * CH, CH)])

    plsc.subcore_barrier()
    base = wid * CH

    @pl.loop(0, NCHUNK)
    def _(j):
        off = base + j * (NW * CH)
        pltpu.sync_copy(src_hbm.at[pl.ds(off, CH)], src_v)
        pltpu.sync_copy(dst_hbm.at[pl.ds(off, CH)], dst_v)
        pltpu.sync_copy(hs_hbm.at[src_v], rows_v)
        pltpu.sync_copy(rows_v, acc.at[dst_v], add=True)

    plsc.subcore_barrier()
    pltpu.sync_copy(acc.at[pl.ds(r0, ROWS_SUB)],
                    p_hbm.at[c].at[pl.ds(r0, ROWS_SUB)])


BM = 640
BN = 400
_HI = lax.Precision.HIGHEST


def _mm_body(x_ref, w_ref, o_ref):
    o_ref[...] = jnp.dot(x_ref[...], w_ref[...],
                         preferred_element_type=f32, precision=_HI)


_mm = pl.pallas_call(
    _mm_body,
    grid=(R // BM,),
    in_specs=[pl.BlockSpec((BM, D), lambda i: (i, 0)),
              pl.BlockSpec((D, D), lambda i: (0, 0))],
    out_specs=pl.BlockSpec((BM, D), lambda i: (i, 0)),
    out_shape=jax.ShapeDtypeStruct((R, D), f32),
)


def _scale_body(h_ref, d_ref, o_ref):
    o_ref[...] = h_ref[...] * lax.rsqrt(d_ref[...])


_scale = pl.pallas_call(
    _scale_body,
    grid=(R // BM,),
    in_specs=[pl.BlockSpec((BM, D), lambda i: (i, 0)),
              pl.BlockSpec((BM, 1), lambda i: (i, 0))],
    out_specs=pl.BlockSpec((BM, D), lambda i: (i, 0)),
    out_shape=jax.ShapeDtypeStruct((R, D), f32),
)


def _combine1_body(p0_ref, p1_ref, hs_ref, d_ref, b_ref, w_ref,
                   h_ref, hs2_ref):
    dis = lax.rsqrt(d_ref[...])
    agg = p0_ref[0] + p1_ref[0] + hs_ref[...]
    e = jnp.maximum(dis * agg + b_ref[...], 0.0)
    h_ref[...] = e
    hs2_ref[...] = jnp.dot(e, w_ref[...],
                           preferred_element_type=f32, precision=_HI) * dis


_combine1 = pl.pallas_call(
    _combine1_body,
    grid=(R // BM,),
    in_specs=[pl.BlockSpec((1, BM, D), lambda i: (0, i, 0)),
              pl.BlockSpec((1, BM, D), lambda i: (1, i, 0)),
              pl.BlockSpec((BM, D), lambda i: (i, 0)),
              pl.BlockSpec((BM, 1), lambda i: (i, 0)),
              pl.BlockSpec((1, D), lambda i: (0, 0)),
              pl.BlockSpec((D, D), lambda i: (0, 0))],
    out_specs=[pl.BlockSpec((BM, D), lambda i: (i, 0)),
               pl.BlockSpec((BM, D), lambda i: (i, 0))],
    out_shape=[jax.ShapeDtypeStruct((R, D), f32),
               jax.ShapeDtypeStruct((R, D), f32)],
)


def _combine2_body(q0_ref, q1_ref, hs_ref, d_ref, b_ref, h1_ref, o_ref):
    dis = lax.rsqrt(d_ref[...])
    agg = q0_ref[0] + q1_ref[0] + hs_ref[...]
    h2 = jnp.maximum(dis * agg + b_ref[...], 0.0)
    o_ref[...] = jnp.concatenate([h1_ref[...], h2], axis=1)


_combine2 = pl.pallas_call(
    _combine2_body,
    grid=(N // BN,),
    in_specs=[pl.BlockSpec((1, BN, D), lambda i: (0, i, 0)),
              pl.BlockSpec((1, BN, D), lambda i: (1, i, 0)),
              pl.BlockSpec((BN, D), lambda i: (i, 0)),
              pl.BlockSpec((BN, 1), lambda i: (i, 0)),
              pl.BlockSpec((1, D), lambda i: (0, 0)),
              pl.BlockSpec((BN, D), lambda i: (i, 0))],
    out_specs=pl.BlockSpec((BN, 2 * D), lambda i: (i, 0)),
    out_shape=jax.ShapeDtypeStruct((N, 2 * D), f32),
)


def kernel(x, edge_index, W1, b1, W2, b2):
    x = x.astype(f32)
    src = edge_index[0].astype(i32)
    dst = edge_index[1].astype(i32)
    pad_idx = jnp.full((E_PAD - E,), N, i32)
    src_p = jnp.concatenate([src, pad_idx])
    dst_p = jnp.concatenate([dst, pad_idx])
    x_pad = jnp.concatenate([x, jnp.zeros((R - N, D), f32)])
    b1r = b1.reshape(1, D).astype(f32)
    b2r = b2.reshape(1, D).astype(f32)

    deg32 = _deg_kernel(dst_p)
    degp = deg32.reshape(NW, R).sum(axis=0).reshape(R, 1) + 1.0
    h1 = _mm(x_pad, W1.astype(f32))
    hs1 = _scale(h1, degp)
    p = _agg_kernel(hs1, src_p, dst_p)
    h1o, hs2 = _combine1(p, p, hs1, degp, b1r, W2.astype(f32))
    q = _agg_kernel(hs2, src_p, dst_p)
    return _combine2(q, q, hs2, degp, b2r, h1o)

# --- scband reference (transcript-rebuilt; emitter-appended) ---
"""Pipeline reference for scband-gcnencoder-38268158607494 (READ-ONLY COPY).

The authoritative reference and input builder live on the scoring server;
editing this copy changes nothing except your own understanding.
"""

import jax, jax.numpy as jnp
import numpy as np

N_NODES = 10000
N_EDGES = 320000
D_IN = 128
D_HID = 128


def setup_inputs(seed: int = 0) -> dict:
    key = jax.random.key(seed)
    k1, k2, k3, k4, k5 = jax.random.split(key, 5)
    x = jax.random.normal(k1, (N_NODES, D_IN), dtype=jnp.float32)
    edge_index = jax.random.randint(k2, (2, N_EDGES), 0, N_NODES, dtype=jnp.int64)
    s1 = (6.0 / (D_IN + D_HID)) ** 0.5
    s2 = (6.0 / (D_HID + D_HID)) ** 0.5
    W1 = jax.random.uniform(k3, (D_IN, D_HID), dtype=jnp.float32, minval=-s1, maxval=s1)
    W2 = jax.random.uniform(k4, (D_HID, D_HID), dtype=jnp.float32, minval=-s2, maxval=s2)
    b1 = jnp.zeros((D_HID,), dtype=jnp.float32)
    b2 = jnp.zeros((D_HID,), dtype=jnp.float32)
    return {"x": x, "edge_index": edge_index, "W1": W1, "b1": b1, "W2": W2, "b2": b2}


def _gcn_conv(x, edge_index, W, b):
    # Faithful PyG GCNConv: x' = D^{-1/2} (A + I) D^{-1/2} (X W) + b
    num_nodes = x.shape[0]
    h = x @ W
    src = edge_index[0]
    dst = edge_index[1]
    loop = jnp.arange(num_nodes, dtype=src.dtype)
    src = jnp.concatenate([src, loop])
    dst = jnp.concatenate([dst, loop])
    ew = jnp.ones(src.shape[0], dtype=h.dtype)
    deg = jnp.zeros((num_nodes,), dtype=h.dtype).at[dst].add(ew)
    deg_inv_sqrt = jnp.where(deg > 0, deg ** -0.5, 0.0)
    norm = deg_inv_sqrt[src] * ew * deg_inv_sqrt[dst]
    msg = h[src] * norm[:, None]
    out = jnp.zeros_like(h).at[dst].add(msg)
    return out + b


def reference(x, edge_index, W1, b1, W2, b2):
    h1 = jax.nn.relu(_gcn_conv(x, edge_index, W1, b1))
    h2 = jax.nn.relu(_gcn_conv(h1, edge_index, W2, b2))
    return jnp.concatenate([h1, h2], axis=1)

if __name__ == "__main__":
    import jax
    _d = setup_inputs()
    print(jax.jit(kernel)(*tuple(_d.values())))

</pallas_src>

<mosaic_0001>
#map = affine_map<(d0, d1) -> (0, 0)>
#map1 = affine_map<(d0, d1) -> (0)>
#map2 = affine_map<(d0, d1) -> (0, 0, 0)>
module attributes {stable_mosaic.version = 14 : i64} {
  func.func @_agg_kernel(%arg0: i32, %arg1: i32, %arg2: memref<10240x128xf32, #tpu.memory_space<hbm>>, %arg3: memref<323584xi32, #tpu.memory_space<hbm>>, %arg4: memref<323584xi32, #tpu.memory_space<hbm>>, %arg5: memref<2x10240x128xf32, #tpu.memory_space<hbm>>, %arg6: memref<128xi32, #tpu.memory_space<vmem>>, %arg7: memref<128xi32, #tpu.memory_space<vmem>>, %arg8: memref<128x128xf32, #tpu.memory_space<vmem>>, %arg9: memref<10240x128xf32, #tpu.memory_space<vmem_shared>>) attributes {dimension_semantics = [#tpu.dimension_semantics<core_parallel>, #tpu.dimension_semantics<subcore_parallel>], iteration_bounds = array<i64: 2, 16>, scalar_prefetch = 0 : i64, scratch_operands = 4 : i64, tpu.core_type = #tpu.core_type<sc_vector_subcore>, window_params = [{transform_indices = #map}, {transform_indices = #map1}, {transform_indices = #map1}, {transform_indices = #map2}]} {
    %mul3A = arith.constant 16 : i32
    %mul3A_0 = arith.muli %arg0, %mul3A : i32
    %add3A = arith.addi %mul3A_0, %arg1 : i32
    %mul3A_1 = arith.constant 640 : i32
    %mul3A_2 = arith.muli %arg1, %mul3A_1 : i32
    %multiple_of3A = tpu.assume_multiple %mul3A_2, 8 : i32
    %scan3A = arith.constant 0 : i32
    %scan3A_3 = arith.constant 128 : i32
    %scan3A_4 = arith.addi %scan3A, %scan3A_3 : i32
    %scan3A_5 = arith.constant 1 : i32
    scf.for %scan3A_20 = %scan3A to %scan3A_4 step %scan3A_5  : i32 {
      %mul3A_21 = arith.constant 1 : i32
      %mul3A_22 = arith.muli %scan3A_20, %mul3A_21 : i32
      %add3A_23 = arith.constant 0 : i32
      %add3A_24 = arith.addi %add3A_23, %mul3A_22 : i32
      %broadcast_in_dim3A = arith.constant 0.000000e+00 : f32
      %broadcast_in_dim3A_25 = vector.broadcast %broadcast_in_dim3A : f32 to vector<16xf32>
      %swap3A = arith.index_cast %add3A_24 : i32 to index
      %swap3A_26 = arith.constant 0 : index
      %swap3A_27 = tpu.vector_load %arg8[%swap3A, %swap3A_26] {strides = array<i32>} : memref<128x128xf32, #tpu.memory_space<vmem>>, vector<1x16xf32>,
      %swap3A_28 = vector.shape_cast %swap3A_27 : vector<1x16xf32> to vector<16xf32>
      %swap3A_29 = vector.shape_cast %broadcast_in_dim3A_25 : vector<16xf32> to vector<1x16xf32>
      tpu.vector_store %arg8[%swap3A, %swap3A_26], %swap3A_29 {strides = array<i32>} : memref<128x128xf32, #tpu.memory_space<vmem>>, vector<1x16xf32>,
      %broadcast_in_dim3A_30 = arith.constant 0.000000e+00 : f32
      %broadcast_in_dim3A_31 = vector.broadcast %broadcast_in_dim3A_30 : f32 to vector<16xf32>
      %swap3A_32 = arith.index_cast %add3A_24 : i32 to index
      %swap3A_33 = arith.constant 16 : index
      %swap3A_34 = tpu.vector_load %arg8[%swap3A_32, %swap3A_33] {strides = array<i32>} : memref<128x128xf32, #tpu.memory_space<vmem>>, vector<1x16xf32>,
      %swap3A_35 = vector.shape_cast %swap3A_34 : vector<1x16xf32> to vector<16xf32>
      %swap3A_36 = vector.shape_cast %broadcast_in_dim3A_31 : vector<16xf32> to vector<1x16xf32>
      tpu.vector_store %arg8[%swap3A_32, %swap3A_33], %swap3A_36 {strides = array<i32>} : memref<128x128xf32, #tpu.memory_space<vmem>>, vector<1x16xf32>,
      %broadcast_in_dim3A_37 = arith.constant 0.000000e+00 : f32
      %broadcast_in_dim3A_38 = vector.broadcast %broadcast_in_dim3A_37 : f32 to vector<16xf32>
      %swap3A_39 = arith.index_cast %add3A_24 : i32 to index
      %swap3A_40 = arith.constant 32 : index
      %swap3A_41 = tpu.vector_load %arg8[%swap3A_39, %swap3A_40] {strides = array<i32>} : memref<128x128xf32, #tpu.memory_space<vmem>>, vector<1x16xf32>,
      %swap3A_42 = vector.shape_cast %swap3A_41 : vector<1x16xf32> to vector<16xf32>
      %swap3A_43 = vector.shape_cast %broadcast_in_dim3A_38 : vector<16xf32> to vector<1x16xf32>
      tpu.vector_store %arg8[%swap3A_39, %swap3A_40], %swap3A_43 {strides = array<i32>} : memref<128x128xf32, #tpu.memory_space<vmem>>, vector<1x16xf32>,
      %broadcast_in_dim3A_44 = arith.constant 0.000000e+00 : f32
      %broadcast_in_dim3A_45 = vector.broadcast %broadcast_in_dim3A_44 : f32 to vector<16xf32>
      %swap3A_46 = arith.index_cast %add3A_24 : i32 to index
      %swap3A_47 = arith.constant 48 : index
      %swap3A_48 = tpu.vector_load %arg8[%swap3A_46, %swap3A_47] {strides = array<i32>} : memref<128x128xf32, #tpu.memory_space<vmem>>, vector<1x16xf32>,
      %swap3A_49 = vector.shape_cast %swap3A_48 : vector<1x16xf32> to vector<16xf32>
      %swap3A_50 = vector.shape_cast %broadcast_in_dim3A_45 : vector<16xf32> to vector<1x16xf32>
      tpu.vector_store %arg8[%swap3A_46, %swap3A_47], %swap3A_50 {strides = array<i32>} : memref<128x128xf32, #tpu.memory_space<vmem>>, vector<1x16xf32>,
      %broadcast_in_dim3A_51 = arith.constant 0.000000e+00 : f32
      %broadcast_in_dim3A_52 = vector.broadcast %broadcast_in_dim3A_51 : f32 to vector<16xf32>
      %swap3A_53 = arith.index_cast %add3A_24 : i32 to index
      %swap3A_54 = arith.constant 64 : index
      %swap3A_55 = tpu.vector_load %arg8[%swap3A_53, %swap3A_54] {strides = array<i32>} : memref<128x128xf32, #tpu.memory_space<vmem>>, vector<1x16xf32>,
      %swap3A_56 = vector.shape_cast %swap3A_55 : vector<1x16xf32> to vector<16xf32>
      %swap3A_57 = vector.shape_cast %broadcast_in_dim3A_52 : vector<16xf32> to vector<1x16xf32>
      tpu.vector_store %arg8[%swap3A_53, %swap3A_54], %swap3A_57 {strides = array<i32>} : memref<128x128xf32, #tpu.memory_space<vmem>>, vector<1x16xf32>,
      %broadcast_in_dim3A_58 = arith.constant 0.000000e+00 : f32
      %broadcast_in_dim3A_59 = vector.broadcast %broadcast_in_dim3A_58 : f32 to vector<16xf32>
      %swap3A_60 = arith.index_cast %add3A_24 : i32 to index
      %swap3A_61 = arith.constant 80 : index
      %swap3A_62 = tpu.vector_load %arg8[%swap3A_60, %swap3A_61] {strides = array<i32>} : memref<128x128xf32, #tpu.memory_space<vmem>>, vector<1x16xf32>,
      %swap3A_63 = vector.shape_cast %swap3A_62 : vector<1x16xf32> to vector<16xf32>
      %swap3A_64 = vector.shape_cast %broadcast_in_dim3A_59 : vector<16xf32> to vector<1x16xf32>
      tpu.vector_store %arg8[%swap3A_60, %swap3A_61], %swap3A_64 {strides = array<i32>} : memref<128x128xf32, #tpu.memory_space<vmem>>, vector<1x16xf32>,
      %broadcast_in_dim3A_65 = arith.constant 0.000000e+00 : f32
      %broadcast_in_dim3A_66 = vector.broadcast %broadcast_in_dim3A_65 : f32 to vector<16xf32>
      %swap3A_67 = arith.index_cast %add3A_24 : i32 to index
      %swap3A_68 = arith.constant 96 : index
      %swap3A_69 = tpu.vector_load %arg8[%swap3A_67, %swap3A_68] {strides = array<i32>} : memref<128x128xf32, #tpu.memory_space<vmem>>, vector<1x16xf32>,
      %swap3A_70 = vector.shape_cast %swap3A_69 : vector<1x16xf32> to vector<16xf32>
      %swap3A_71 = vector.shape_cast %broadcast_in_dim3A_66 : vector<16xf32> to vector<1x16xf32>
      tpu.vector_store %arg8[%swap3A_67, %swap3A_68], %swap3A_71 {strides = array<i32>} : memref<128x128xf32, #tpu.memory_space<vmem>>, vector<1x16xf32>,
      %broadcast_in_dim3A_72 = arith.constant 0.000000e+00 : f32
      %broadcast_in_dim3A_73 = vector.broadcast %broadcast_in_dim3A_72 : f32 to vector<16xf32>
      %swap3A_74 = arith.index_cast %add3A_24 : i32 to index
      %swap3A_75 = arith.constant 112 : index
      %swap3A_76 = tpu.vector_load %arg8[%swap3A_74, %swap3A_75] {strides = array<i32>} : memref<128x128xf32, #tpu.memory_space<vmem>>, vector<1x16xf32>,
      %swap3A_77 = vector.shape_cast %swap3A_76 : vector<1x16xf32> to vector<16xf32>
      %swap3A_78 = vector.shape_cast %broadcast_in_dim3A_73 : vector<16xf32> to vector<1x16xf32>
      tpu.vector_store %arg8[%swap3A_74, %swap3A_75], %swap3A_78 {strides = array<i32>} : memref<128x128xf32, #tpu.memory_space<vmem>>, vector<1x16xf32>,
    }
    %scan3A_6 = arith.constant 128 : i32
    %scan3A_7 = arith.constant 0 : i32
    %scan3A_8 = arith.constant 5 : i32
    %scan3A_9 = arith.addi %scan3A_7, %scan3A_8 : i32
    %scan3A_10 = arith.constant 1 : i32
    scf.for %scan3A_20 = %scan3A_7 to %scan3A_9 step %scan3A_10  : i32 {
      %mul3A_21 = arith.constant 1 : i32
      %mul3A_22 = arith.muli %scan3A_20, %mul3A_21 : i32
      %add3A_23 = arith.constant 0 : i32
      %add3A_24 = arith.addi %add3A_23, %mul3A_22 : i32
      %mul3A_25 = arith.constant 128 : i32
      %mul3A_26 = arith.muli %add3A_24, %mul3A_25 : i32
      %add3A_27 = arith.addi %multiple_of3A, %mul3A_26 : i32
      "tpu.region"() ({
        %run_scoped3A = tpu.sem_alloc : memref<!tpu.dma_semaphore, #tpu.memory_space<semaphore_mem>>
        %dma_start3A = arith.constant 0 : i32
        %dma_start3A_28 = tpu.memref_slice %arg9[%add3A_27, %dma_start3A] : memref<10240x128xf32, #tpu.memory_space<vmem_shared>> -> memref<128x128xf32, #tpu.memory_space<vmem_shared>>
        %dma_start3A_29 = arith.constant 0 : i32
        %dma_start3A_30 = tpu.memref_slice %arg9[%add3A_27, %dma_start3A_29] : memref<10240x128xf32, #tpu.memory_space<vmem_shared>> -> memref<128x128xf32, #tpu.memory_space<vmem_shared>>
        tpu.enqueue_dma source(%arg8 : memref<128x128xf32, #tpu.memory_space<vmem>>) target(%dma_start3A_30 : memref<128x128xf32, #tpu.memory_space<vmem_shared>>) target_semaphore(%run_scoped3A : memref<!tpu.dma_semaphore, #tpu.memory_space<semaphore_mem>>)
        %dma_wait3A = arith.constant 0 : i32
        %dma_wait3A_31 = tpu.memref_slice %arg9[%add3A_27, %dma_wait3A] : memref<10240x128xf32, #tpu.memory_space<vmem_shared>> -> memref<128x128xf32, #tpu.memory_space<vmem_shared>>
        %dma_wait3A_32 = arith.constant 0 : i32
        %dma_wait3A_33 = tpu.memref_slice %arg9[%add3A_27, %dma_wait3A_32] : memref<10240x128xf32, #tpu.memory_space<vmem_shared>> -> memref<128x128xf32, #tpu.memory_space<vmem_shared>>
        tpu.wait_dma2 semaphore(%run_scoped3A : memref<!tpu.dma_semaphore, #tpu.memory_space<semaphore_mem>>) src(%arg8 : memref<128x128xf32, #tpu.memory_space<vmem>>) dst(%dma_wait3A_33 : memref<128x128xf32, #tpu.memory_space<vmem_shared>>)
        tpu.yield
      }) : () -> ()
    }
    %scan3A_11 = arith.constant 5 : i32
    %barrier3A = arith.constant 0 : index
    tpu.barrier barrier_id(%barrier3A)
    %mul3A_12 = arith.constant 128 : i32
    %mul3A_13 = arith.muli %add3A, %mul3A_12 : i32
    %scan3A_14 = arith.constant 0 : i32
    %scan3A_15 = arith.constant 79 : i32
    %scan3A_16 = arith.addi %scan3A_14, %scan3A_15 : i32
    %scan3A_17 = arith.constant 1 : i32
    scf.for %scan3A_20 = %scan3A_14 to %scan3A_16 step %scan3A_17  : i32 {
      %mul3A_21 = arith.constant 1 : i32
      %mul3A_22 = arith.muli %scan3A_20, %mul3A_21 : i32
      %add3A_23 = arith.constant 0 : i32
      %add3A_24 = arith.addi %add3A_23, %mul3A_22 : i32
      %mul3A_25 = arith.constant 4096 : i32
      %mul3A_26 = arith.muli %add3A_24, %mul3A_25 : i32
      %add3A_27 = arith.addi %mul3A_13, %mul3A_26 : i32
      "tpu.region"() ({
        %run_scoped3A = tpu.sem_alloc : memref<!tpu.dma_semaphore, #tpu.memory_space<semaphore_mem>>
        %dma_start3A = tpu.memref_slice %arg3[%add3A_27] : memref<323584xi32, #tpu.memory_space<hbm>> -> memref<128xi32, #tpu.memory_space<hbm>>
        %dma_start3A_28 = tpu.memref_slice %arg3[%add3A_27] : memref<323584xi32, #tpu.memory_space<hbm>> -> memref<128xi32, #tpu.memory_space<hbm>>
        tpu.enqueue_dma source(%dma_start3A_28 : memref<128xi32, #tpu.memory_space<hbm>>) target(%arg6 : memref<128xi32, #tpu.memory_space<vmem>>) target_semaphore(%run_scoped3A : memref<!tpu.dma_semaphore, #tpu.memory_space<semaphore_mem>>)
        %dma_wait3A = tpu.memref_slice %arg3[%add3A_27] : memref<323584xi32, #tpu.memory_space<hbm>> -> memref<128xi32, #tpu.memory_space<hbm>>
        %dma_wait3A_29 = tpu.memref_slice %arg3[%add3A_27] : memref<323584xi32, #tpu.memory_space<hbm>> -> memref<128xi32, #tpu.memory_space<hbm>>
        tpu.wait_dma2 semaphore(%run_scoped3A : memref<!tpu.dma_semaphore, #tpu.memory_space<semaphore_mem>>) src(%dma_wait3A_29 : memref<128xi32, #tpu.memory_space<hbm>>) dst(%arg6 : memref<128xi32, #tpu.memory_space<vmem>>)
        tpu.yield
      }) : () -> ()
      "tpu.region"() ({
        %run_scoped3A = tpu.sem_alloc : memref<!tpu.dma_semaphore, #tpu.memory_space<semaphore_mem>>
        %dma_start3A = tpu.memref_slice %arg4[%add3A_27] : memref<323584xi32, #tpu.memory_space<hbm>> -> memref<128xi32, #tpu.memory_space<hbm>>
        %dma_start3A_28 = tpu.memref_slice %arg4[%add3A_27] : memref<323584xi32, #tpu.memory_space<hbm>> -> memref<128xi32, #tpu.memory_space<hbm>>
        tpu.enqueue_dma source(%dma_start3A_28 : memref<128xi32, #tpu.memory_space<hbm>>) target(%arg7 : memref<128xi32, #tpu.memory_space<vmem>>) target_semaphore(%run_scoped3A : memref<!tpu.dma_semaphore, #tpu.memory_space<semaphore_mem>>)
        %dma_wait3A = tpu.memref_slice %arg4[%add3A_27] : memref<323584xi32, #tpu.memory_space<hbm>> -> memref<128xi32, #tpu.memory_space<hbm>>
        %dma_wait3A_29 = tpu.memref_slice %arg4[%add3A_27] : memref<323584xi32, #tpu.memory_space<hbm>> -> memref<128xi32, #tpu.memory_space<hbm>>
        tpu.wait_dma2 semaphore(%run_scoped3A : memref<!tpu.dma_semaphore, #tpu.memory_space<semaphore_mem>>) src(%dma_wait3A_29 : memref<128xi32, #tpu.memory_space<hbm>>) dst(%arg7 : memref<128xi32, #tpu.memory_space<vmem>>)
        tpu.yield
      }) : () -> ()
      "tpu.region"() ({
        %run_scoped3A = tpu.sem_alloc : memref<!tpu.dma_semaphore, #tpu.memory_space<semaphore_mem>>
        %dma_start3A = arith.constant 0 : i32
        %dma_start3A_28 = arith.constant 0 : i32
        %dma_start3A_29 = tpu.memref_slice %arg2[%dma_start3A, %dma_start3A_28] : memref<10240x128xf32, #tpu.memory_space<hbm>> -> memref<10240x128xf32, #tpu.memory_space<hbm>>
        tpu.enqueue_indirect_dma source(%dma_start3A_29 : memref<10240x128xf32, #tpu.memory_space<hbm>>) target(%arg8 : memref<128x128xf32, #tpu.memory_space<vmem>>) offsets(%arg6 : memref<128xi32, #tpu.memory_space<vmem>>) semaphore(%run_scoped3A : memref<!tpu.dma_semaphore, #tpu.memory_space<semaphore_mem>>)
        %dma_wait3A = arith.constant 0 : i32
        %dma_wait3A_30 = arith.constant 0 : i32
        %dma_wait3A_31 = tpu.memref_slice %arg2[%dma_wait3A, %dma_wait3A_30] : memref<10240x128xf32, #tpu.memory_space<hbm>> -> memref<10240x128xf32, #tpu.memory_space<hbm>>
        tpu.wait_indirect_dma semaphore(%run_scoped3A : memref<!tpu.dma_semaphore, #tpu.memory_space<semaphore_mem>>) src(%dma_wait3A_31 : memref<10240x128xf32, #tpu.memory_space<hbm>>) dst(%arg8 : memref<128x128xf32, #tpu.memory_space<vmem>>)
        tpu.yield
      }) : () -> ()
      "tpu.region"() ({
        %run_scoped3A = tpu.sem_alloc : memref<!tpu.dma_semaphore, #tpu.memory_space<semaphore_mem>>
        %dma_start3A = arith.constant 0 : i32
        %dma_start3A_28 = arith.constant 0 : i32
        %dma_start3A_29 = tpu.memref_slice %arg9[%dma_start3A, %dma_start3A_28] : memref<10240x128xf32, #tpu.memory_space<vmem_shared>> -> memref<10240x128xf32, #tpu.memory_space<vmem_shared>>
        tpu.enqueue_indirect_dma source(%arg8 : memref<128x128xf32, #tpu.memory_space<vmem>>) target(%dma_start3A_29 : memref<10240x128xf32, #tpu.memory_space<vmem_shared>>) offsets(%arg7 : memref<128xi32, #tpu.memory_space<vmem>>) semaphore(%run_scoped3A : memref<!tpu.dma_semaphore, #tpu.memory_space<semaphore_mem>>) {add = true}
        %dma_wait3A = arith.constant 0 : i32
        %dma_wait3A_30 = arith.constant 0 : i32
        %dma_wait3A_31 = tpu.memref_slice %arg9[%dma_wait3A, %dma_wait3A_30] : memref<10240x128xf32, #tpu.memory_space<vmem_shared>> -> memref<10240x128xf32, #tpu.memory_space<vmem_shared>>
        tpu.wait_indirect_dma semaphore(%run_scoped3A : memref<!tpu.dma_semaphore, #tpu.memory_space<semaphore_mem>>) src(%arg8 : memref<128x128xf32, #tpu.memory_space<vmem>>) dst(%dma_wait3A_31 : memref<10240x128xf32, #tpu.memory_space<vmem_shared>>)
        tpu.yield
      }) : () -> ()
    }
    %scan3A_18 = arith.constant 79 : i32
    %barrier3A_19 = arith.constant 0 : index
    tpu.barrier barrier_id(%barrier3A_19)
    "tpu.region"() ({
      %run_scoped3A = tpu.sem_alloc : memref<!tpu.dma_semaphore, #tpu.memory_space<semaphore_mem>>
      %dma_start3A = arith.constant 0 : i32
      %dma_start3A_20 = arith.constant 0 : i32
      %dma_start3A_21 = tpu.memref_slice %arg5[%arg0, %dma_start3A, %dma_start3A_20] : memref<2x10240x128xf32, #tpu.memory_space<hbm>> -> memref<1x10240x128xf32, #tpu.memory_space<hbm>>
      %dma_start3A_22 = tpu.memref_squeeze %dma_start3A_21 : memref<1x10240x128xf32, #tpu.memory_space<hbm>> -> memref<10240x128xf32, #tpu.memory_space<hbm>>
      %dma_start3A_23 = arith.constant 0 : i32
      %dma_start3A_24 = tpu.memref_slice %dma_start3A_22[%multiple_of3A, %dma_start3A_23] : memref<10240x128xf32, #tpu.memory_space<hbm>> -> memref<640x128xf32, #tpu.memory_space<hbm>>
      %dma_start3A_25 = arith.constant 0 : i32
      %dma_start3A_26 = tpu.memref_slice %arg9[%multiple_of3A, %dma_start3A_25] : memref<10240x128xf32, #tpu.memory_space<vmem_shared>> -> memref<640x128xf32, #tpu.memory_space<vmem_shared>>
      tpu.enqueue_dma source(%dma_start3A_26 : memref<640x128xf32, #tpu.memory_space<vmem_shared>>) target(%dma_start3A_24 : memref<640x128xf32, #tpu.memory_space<hbm>>) target_semaphore(%run_scoped3A : memref<!tpu.dma_semaphore, #tpu.memory_space<semaphore_mem>>)
      %dma_wait3A = arith.constant 0 : i32
      %dma_wait3A_27 = arith.constant 0 : i32
      %dma_wait3A_28 = tpu.memref_slice %arg5[%arg0, %dma_wait3A, %dma_wait3A_27] : memref<2x10240x128xf32, #tpu.memory_space<hbm>> -> memref<1x10240x128xf32, #tpu.memory_space<hbm>>
      %dma_wait3A_29 = tpu.memref_squeeze %dma_wait3A_28 : memref<1x10240x128xf32, #tpu.memory_space<hbm>> -> memref<10240x128xf32, #tpu.memory_space<hbm>>
      %dma_wait3A_30 = arith.constant 0 : i32
      %dma_wait3A_31 = tpu.memref_slice %dma_wait3A_29[%multiple_of3A, %dma_wait3A_30] : memref<10240x128xf32, #tpu.memory_space<hbm>> -> memref<640x128xf32, #tpu.memory_space<hbm>>
      %dma_wait3A_32 = arith.constant 0 : i32
      %dma_wait3A_33 = tpu.memref_slice %arg9[%multiple_of3A, %dma_wait3A_32] : memref<10240x128xf32, #tpu.memory_space<vmem_shared>> -> memref<640x128xf32, #tpu.memory_space<vmem_shared>>
      tpu.wait_dma2 semaphore(%run_scoped3A : memref<!tpu.dma_semaphore, #tpu.memory_space<semaphore_mem>>) src(%dma_wait3A_33 : memref<640x128xf32, #tpu.memory_space<vmem_shared>>) dst(%dma_wait3A_31 : memref<640x128xf32, #tpu.memory_space<hbm>>)
      tpu.yield
    }) : () -> ()
    return
  }
}

#map = affine_map<(d0, d1) -> (0, 0)>
#map1 = affine_map<(d0, d1) -> (0)>
#map2 = affine_map<(d0, d1) -> (0, 0, 0)>
module attributes {stable_mosaic.version = 14 : i64} {
  func.func @_agg_kernel(%arg0: i32, %arg1: i32, %arg2: memref<10240x128xf32, #tpu.memory_space<hbm>>, %arg3: memref<323584xi32, #tpu.memory_space<hbm>>, %arg4: memref<323584xi32, #tpu.memory_space<hbm>>, %arg5: memref<2x10240x128xf32, #tpu.memory_space<hbm>>, %arg6: memref<128xi32, #tpu.memory_space<vmem>>, %arg7: memref<128xi32, #tpu.memory_space<vmem>>, %arg8: memref<128x128xf32, #tpu.memory_space<vmem>>, %arg9: memref<10240x128xf32, #tpu.memory_space<vmem_shared>>) attributes {dimension_semantics = [#tpu.dimension_semantics<core_parallel>, #tpu.dimension_semantics<subcore_parallel>], iteration_bounds = array<i64: 2, 16>, scalar_prefetch = 0 : i64, scratch_operands = 4 : i64, tpu.core_type = #tpu.core_type<sc_vector_subcore>, window_params = [{transform_indices = #map}, {transform_indices = #map1}, {transform_indices = #map1}, {transform_indices = #map2}]} {
    %mul3A = arith.constant 16 : i32
    %mul3A_0 = arith.muli %arg0, %mul3A : i32
    %add3A = arith.addi %mul3A_0, %arg1 : i32
    %mul3A_1 = arith.constant 640 : i32
    %mul3A_2 = arith.muli %arg1, %mul3A_1 : i32
    %multiple_of3A = tpu.assume_multiple %mul3A_2, 8 : i32
    %scan3A = arith.constant 0 : i32
    %scan3A_3 = arith.constant 128 : i32
    %scan3A_4 = arith.addi %scan3A, %scan3A_3 : i32
    %scan3A_5 = arith.constant 1 : i32
    scf.for %scan3A_20 = %scan3A to %scan3A_4 step %scan3A_5  : i32 {
      %mul3A_21 = arith.constant 1 : i32
      %mul3A_22 = arith.muli %scan3A_20, %mul3A_21 : i32
      %add3A_23 = arith.constant 0 : i32
      %add3A_24 = arith.addi %add3A_23, %mul3A_22 : i32
      %broadcast_in_dim3A = arith.constant 0.000000e+00 : f32
      %broadcast_in_dim3A_25 = vector.broadcast %broadcast_in_dim3A : f32 to vector<16xf32>
      %swap3A = arith.index_cast %add3A_24 : i32 to index
      %swap3A_26 = arith.constant 0 : index
      %swap3A_27 = tpu.vector_load %arg8[%swap3A, %swap3A_26] {strides = array<i32>} : memref<128x128xf32, #tpu.memory_space<vmem>>, vector<1x16xf32>,
      %swap3A_28 = vector.shape_cast %swap3A_27 : vector<1x16xf32> to vector<16xf32>
      %swap3A_29 = vector.shape_cast %broadcast_in_dim3A_25 : vector<16xf32> to vector<1x16xf32>
      tpu.vector_store %arg8[%swap3A, %swap3A_26], %swap3A_29 {strides = array<i32>} : memref<128x128xf32, #tpu.memory_space<vmem>>, vector<1x16xf32>,
      %broadcast_in_dim3A_30 = arith.constant 0.000000e+00 : f32
      %broadcast_in_dim3A_31 = vector.broadcast %broadcast_in_dim3A_30 : f32 to vector<16xf32>
      %swap3A_32 = arith.index_cast %add3A_24 : i32 to index
      %swap3A_33 = arith.constant 16 : index
      %swap3A_34 = tpu.vector_load %arg8[%swap3A_32, %swap3A_33] {strides = array<i32>} : memref<128x128xf32, #tpu.memory_space<vmem>>, vector<1x16xf32>,
      %swap3A_35 = vector.shape_cast %swap3A_34 : vector<1x16xf32> to vector<16xf32>
      %swap3A_36 = vector.shape_cast %broadcast_in_dim3A_31 : vector<16xf32> to vector<1x16xf32>
      tpu.vector_store %arg8[%swap3A_32, %swap3A_33], %swap3A_36 {strides = array<i32>} : memref<128x128xf32, #tpu.memory_space<vmem>>, vector<1x16xf32>,
      %broadcast_in_dim3A_37 = arith.constant 0.000000e+00 : f32
      %broadcast_in_dim3A_38 = vector.broadcast %broadcast_in_dim3A_37 : f32 to vector<16xf32>
      %swap3A_39 = arith.index_cast %add3A_24 : i32 to index
      %swap3A_40 = arith.constant 32 : index
      %swap3A_41 = tpu.vector_load %arg8[%swap3A_39, %swap3A_40] {strides = array<i32>} : memref<128x128xf32, #tpu.memory_space<vmem>>, vector<1x16xf32>,
      %swap3A_42 = vector.shape_cast %swap3A_41 : vector<1x16xf32> to vector<16xf32>
      %swap3A_43 = vector.shape_cast %broadcast_in_dim3A_38 : vector<16xf32> to vector<1x16xf32>
      tpu.vector_store %arg8[%swap3A_39, %swap3A_40], %swap3A_43 {strides = array<i32>} : memref<128x128xf32, #tpu.memory_space<vmem>>, vector<1x16xf32>,
      %broadcast_in_dim3A_44 = arith.constant 0.000000e+00 : f32
      %broadcast_in_dim3A_45 = vector.broadcast %broadcast_in_dim3A_44 : f32 to vector<16xf32>
      %swap3A_46 = arith.index_cast %add3A_24 : i32 to index
      %swap3A_47 = arith.constant 48 : index
      %swap3A_48 = tpu.vector_load %arg8[%swap3A_46, %swap3A_47] {strides = array<i32>} : memref<128x128xf32, #tpu.memory_space<vmem>>, vector<1x16xf32>,
      %swap3A_49 = vector.shape_cast %swap3A_48 : vector<1x16xf32> to vector<16xf32>
      %swap3A_50 = vector.shape_cast %broadcast_in_dim3A_45 : vector<16xf32> to vector<1x16xf32>
      tpu.vector_store %arg8[%swap3A_46, %swap3A_47], %swap3A_50 {strides = array<i32>} : memref<128x128xf32, #tpu.memory_space<vmem>>, vector<1x16xf32>,
      %broadcast_in_dim3A_51 = arith.constant 0.000000e+00 : f32
      %broadcast_in_dim3A_52 = vector.broadcast %broadcast_in_dim3A_51 : f32 to vector<16xf32>
      %swap3A_53 = arith.index_cast %add3A_24 : i32 to index
      %swap3A_54 = arith.constant 64 : index
      %swap3A_55 = tpu.vector_load %arg8[%swap3A_53, %swap3A_54] {strides = array<i32>} : memref<128x128xf32, #tpu.memory_space<vmem>>, vector<1x16xf32>,
      %swap3A_56 = vector.shape_cast %swap3A_55 : vector<1x16xf32> to vector<16xf32>
      %swap3A_57 = vector.shape_cast %broadcast_in_dim3A_52 : vector<16xf32> to vector<1x16xf32>
      tpu.vector_store %arg8[%swap3A_53, %swap3A_54], %swap3A_57 {strides = array<i32>} : memref<128x128xf32, #tpu.memory_space<vmem>>, vector<1x16xf32>,
      %broadcast_in_dim3A_58 = arith.constant 0.000000e+00 : f32
      %broadcast_in_dim3A_59 = vector.broadcast %broadcast_in_dim3A_58 : f32 to vector<16xf32>
      %swap3A_60 = arith.index_cast %add3A_24 : i32 to index
      %swap3A_61 = arith.constant 80 : index
      %swap3A_62 = tpu.vector_load %arg8[%swap3A_60, %swap3A_61] {strides = array<i32>} : memref<128x128xf32, #tpu.memory_space<vmem>>, vector<1x16xf32>,
      %swap3A_63 = vector.shape_cast %swap3A_62 : vector<1x16xf32> to vector<16xf32>
      %swap3A_64 = vector.shape_cast %broadcast_in_dim3A_59 : vector<16xf32> to vector<1x16xf32>
      tpu.vector_store %arg8[%swap3A_60, %swap3A_61], %swap3A_64 {strides = array<i32>} : memref<128x128xf32, #tpu.memory_space<vmem>>, vector<1x16xf32>,
      %broadcast_in_dim3A_65 = arith.constant 0.000000e+00 : f32
      %broadcast_in_dim3A_66 = vector.broadcast %broadcast_in_dim3A_65 : f32 to vector<16xf32>
      %swap3A_67 = arith.index_cast %add3A_24 : i32 to index
      %swap3A_68 = arith.constant 96 : index
      %swap3A_69 = tpu.vector_load %arg8[%swap3A_67, %swap3A_68] {strides = array<i32>} : memref<128x128xf32, #tpu.memory_space<vmem>>, vector<1x16xf32>,
      %swap3A_70 = vector.shape_cast %swap3A_69 : vector<1x16xf32> to vector<16xf32>
      %swap3A_71 = vector.shape_cast %broadcast_in_dim3A_66 : vector<16xf32> to vector<1x16xf32>
      tpu.vector_store %arg8[%swap3A_67, %swap3A_68], %swap3A_71 {strides = array<i32>} : memref<128x128xf32, #tpu.memory_space<vmem>>, vector<1x16xf32>,
      %broadcast_in_dim3A_72 = arith.constant 0.000000e+00 : f32
      %broadcast_in_dim3A_73 = vector.broadcast %broadcast_in_dim3A_72 : f32 to vector<16xf32>
      %swap3A_74 = arith.index_cast %add3A_24 : i32 to index
      %swap3A_75 = arith.constant 112 : index
      %swap3A_76 = tpu.vector_load %arg8[%swap3A_74, %swap3A_75] {strides = array<i32>} : memref<128x128xf32, #tpu.memory_space<vmem>>, vector<1x16xf32>,
      %swap3A_77 = vector.shape_cast %swap3A_76 : vector<1x16xf32> to vector<16xf32>
      %swap3A_78 = vector.shape_cast %broadcast_in_dim3A_73 : vector<16xf32> to vector<1x16xf32>
      tpu.vector_store %arg8[%swap3A_74, %swap3A_75], %swap3A_78 {strides = array<i32>} : memref<128x128xf32, #tpu.memory_space<vmem>>, vector<1x16xf32>,
    }
    %scan3A_6 = arith.constant 128 : i32
    %scan3A_7 = arith.constant 0 : i32
    %scan3A_8 = arith.constant 5 : i32
    %scan3A_9 = arith.addi %scan3A_7, %scan3A_8 : i32
    %scan3A_10 = arith.constant 1 : i32
    scf.for %scan3A_20 = %scan3A_7 to %scan3A_9 step %scan3A_10  : i32 {
      %mul3A_21 = arith.constant 1 : i32
      %mul3A_22 = arith.muli %scan3A_20, %mul3A_21 : i32
      %add3A_23 = arith.constant 0 : i32
      %add3A_24 = arith.addi %add3A_23, %mul3A_22 : i32
      %mul3A_25 = arith.constant 128 : i32
      %mul3A_26 = arith.muli %add3A_24, %mul3A_25 : i32
      %add3A_27 = arith.addi %multiple_of3A, %mul3A_26 : i32
      "tpu.region"() ({
        %run_scoped3A = tpu.sem_alloc : memref<!tpu.dma_semaphore, #tpu.memory_space<semaphore_mem>>
        %dma_start3A = arith.constant 0 : i32
        %dma_start3A_28 = tpu.memref_slice %arg9[%add3A_27, %dma_start3A] : memref<10240x128xf32, #tpu.memory_space<vmem_shared>> -> memref<128x128xf32, #tpu.memory_space<vmem_shared>>
        %dma_start3A_29 = arith.constant 0 : i32
        %dma_start3A_30 = tpu.memref_slice %arg9[%add3A_27, %dma_start3A_29] : memref<10240x128xf32, #tpu.memory_space<vmem_shared>> -> memref<128x128xf32, #tpu.memory_space<vmem_shared>>
        tpu.enqueue_dma source(%arg8 : memref<128x128xf32, #tpu.memory_space<vmem>>) target(%dma_start3A_30 : memref<128x128xf32, #tpu.memory_space<vmem_shared>>) target_semaphore(%run_scoped3A : memref<!tpu.dma_semaphore, #tpu.memory_space<semaphore_mem>>)
        %dma_wait3A = arith.constant 0 : i32
        %dma_wait3A_31 = tpu.memref_slice %arg9[%add3A_27, %dma_wait3A] : memref<10240x128xf32, #tpu.memory_space<vmem_shared>> -> memref<128x128xf32, #tpu.memory_space<vmem_shared>>
        %dma_wait3A_32 = arith.constant 0 : i32
        %dma_wait3A_33 = tpu.memref_slice %arg9[%add3A_27, %dma_wait3A_32] : memref<10240x128xf32, #tpu.memory_space<vmem_shared>> -> memref<128x128xf32, #tpu.memory_space<vmem_shared>>
        tpu.wait_dma2 semaphore(%run_scoped3A : memref<!tpu.dma_semaphore, #tpu.memory_space<semaphore_mem>>) src(%arg8 : memref<128x128xf32, #tpu.memory_space<vmem>>) dst(%dma_wait3A_33 : memref<128x128xf32, #tpu.memory_space<vmem_shared>>)
        tpu.yield
      }) : () -> ()
    }
    %scan3A_11 = arith.constant 5 : i32
    %barrier3A = arith.constant 0 : index
    tpu.barrier barrier_id(%barrier3A)
    %mul3A_12 = arith.constant 128 : i32
    %mul3A_13 = arith.muli %add3A, %mul3A_12 : i32
    %scan3A_14 = arith.constant 0 : i32
    %scan3A_15 = arith.constant 79 : i32
    %scan3A_16 = arith.addi %scan3A_14, %scan3A_15 : i32
    %scan3A_17 = arith.constant 1 : i32
    scf.for %scan3A_20 = %scan3A_14 to %scan3A_16 step %scan3A_17  : i32 {
      %mul3A_21 = arith.constant 1 : i32
      %mul3A_22 = arith.muli %scan3A_20, %mul3A_21 : i32
      %add3A_23 = arith.constant 0 : i32
      %add3A_24 = arith.addi %add3A_23, %mul3A_22 : i32
      %mul3A_25 = arith.constant 4096 : i32
      %mul3A_26 = arith.muli %add3A_24, %mul3A_25 : i32
      %add3A_27 = arith.addi %mul3A_13, %mul3A_26 : i32
      "tpu.region"() ({
        %run_scoped3A = tpu.sem_alloc : memref<!tpu.dma_semaphore, #tpu.memory_space<semaphore_mem>>
        %dma_start3A = tpu.memref_slice %arg3[%add3A_27] : memref<323584xi32, #tpu.memory_space<hbm>> -> memref<128xi32, #tpu.memory_space<hbm>>
        %dma_start3A_28 = tpu.memref_slice %arg3[%add3A_27] : memref<323584xi32, #tpu.memory_space<hbm>> -> memref<128xi32, #tpu.memory_space<hbm>>
        tpu.enqueue_dma source(%dma_start3A_28 : memref<128xi32, #tpu.memory_space<hbm>>) target(%arg6 : memref<128xi32, #tpu.memory_space<vmem>>) target_semaphore(%run_scoped3A : memref<!tpu.dma_semaphore, #tpu.memory_space<semaphore_mem>>)
        %dma_wait3A = tpu.memref_slice %arg3[%add3A_27] : memref<323584xi32, #tpu.memory_space<hbm>> -> memref<128xi32, #tpu.memory_space<hbm>>
        %dma_wait3A_29 = tpu.memref_slice %arg3[%add3A_27] : memref<323584xi32, #tpu.memory_space<hbm>> -> memref<128xi32, #tpu.memory_space<hbm>>
        tpu.wait_dma2 semaphore(%run_scoped3A : memref<!tpu.dma_semaphore, #tpu.memory_space<semaphore_mem>>) src(%dma_wait3A_29 : memref<128xi32, #tpu.memory_space<hbm>>) dst(%arg6 : memref<128xi32, #tpu.memory_space<vmem>>)
        tpu.yield
      }) : () -> ()
      "tpu.region"() ({
        %run_scoped3A = tpu.sem_alloc : memref<!tpu.dma_semaphore, #tpu.memory_space<semaphore_mem>>
        %dma_start3A = tpu.memref_slice %arg4[%add3A_27] : memref<323584xi32, #tpu.memory_space<hbm>> -> memref<128xi32, #tpu.memory_space<hbm>>
        %dma_start3A_28 = tpu.memref_slice %arg4[%add3A_27] : memref<323584xi32, #tpu.memory_space<hbm>> -> memref<128xi32, #tpu.memory_space<hbm>>
        tpu.enqueue_dma source(%dma_start3A_28 : memref<128xi32, #tpu.memory_space<hbm>>) target(%arg7 : memref<128xi32, #tpu.memory_space<vmem>>) target_semaphore(%run_scoped3A : memref<!tpu.dma_semaphore, #tpu.memory_space<semaphore_mem>>)
        %dma_wait3A = tpu.memref_slice %arg4[%add3A_27] : memref<323584xi32, #tpu.memory_space<hbm>> -> memref<128xi32, #tpu.memory_space<hbm>>
        %dma_wait3A_29 = tpu.memref_slice %arg4[%add3A_27] : memref<323584xi32, #tpu.memory_space<hbm>> -> memref<128xi32, #tpu.memory_space<hbm>>
        tpu.wait_dma2 semaphore(%run_scoped3A : memref<!tpu.dma_semaphore, #tpu.memory_space<semaphore_mem>>) src(%dma_wait3A_29 : memref<128xi32, #tpu.memory_space<hbm>>) dst(%arg7 : memref<128xi32, #tpu.memory_space<vmem>>)
        tpu.yield
      }) : () -> ()
      "tpu.region"() ({
        %run_scoped3A = tpu.sem_alloc : memref<!tpu.dma_semaphore, #tpu.memory_space<semaphore_mem>>
        %dma_start3A = arith.constant 0 : i32
        %dma_start3A_28 = arith.constant 0 : i32
        %dma_start3A_29 = tpu.memref_slice %arg2[%dma_start3A, %dma_start3A_28] : memref<10240x128xf32, #tpu.memory_space<hbm>> -> memref<10240x128xf32, #tpu.memory_space<hbm>>
        tpu.enqueue_indirect_dma source(%dma_start3A_29 : memref<10240x128xf32, #tpu.memory_space<hbm>>) target(%arg8 : memref<128x128xf32, #tpu.memory_space<vmem>>) offsets(%arg6 : memref<128xi32, #tpu.memory_space<vmem>>) semaphore(%run_scoped3A : memref<!tpu.dma_semaphore, #tpu.memory_space<semaphore_mem>>)
        %dma_wait3A = arith.constant 0 : i32
        %dma_wait3A_30 = arith.constant 0 : i32
        %dma_wait3A_31 = tpu.memref_slice %arg2[%dma_wait3A, %dma_wait3A_30] : memref<10240x128xf32, #tpu.memory_space<hbm>> -> memref<10240x128xf32, #tpu.memory_space<hbm>>
        tpu.wait_indirect_dma semaphore(%run_scoped3A : memref<!tpu.dma_semaphore, #tpu.memory_space<semaphore_mem>>) src(%dma_wait3A_31 : memref<10240x128xf32, #tpu.memory_space<hbm>>) dst(%arg8 : memref<128x128xf32, #tpu.memory_space<vmem>>)
        tpu.yield
      }) : () -> ()
      "tpu.region"() ({
        %run_scoped3A = tpu.sem_alloc : memref<!tpu.dma_semaphore, #tpu.memory_space<semaphore_mem>>
        %dma_start3A = arith.constant 0 : i32
        %dma_start3A_28 = arith.constant 0 : i32
        %dma_start3A_29 = tpu.memref_slice %arg9[%dma_start3A, %dma_start3A_28] : memref<10240x128xf32, #tpu.memory_space<vmem_shared>> -> memref<10240x128xf32, #tpu.memory_space<vmem_shared>>
        tpu.enqueue_indirect_dma source(%arg8 : memref<128x128xf32, #tpu.memory_space<vmem>>) target(%dma_start3A_29 : memref<10240x128xf32, #tpu.memory_space<vmem_shared>>) offsets(%arg7 : memref<128xi32, #tpu.memory_space<vmem>>) semaphore(%run_scoped3A : memref<!tpu.dma_semaphore, #tpu.memory_space<semaphore_mem>>) {add = true}
        %dma_wait3A = arith.constant 0 : i32
        %dma_wait3A_30 = arith.constant 0 : i32
        %dma_wait3A_31 = tpu.memref_slice %arg9[%dma_wait3A, %dma_wait3A_30] : memref<10240x128xf32, #tpu.memory_space<vmem_shared>> -> memref<10240x128xf32, #tpu.memory_space<vmem_shared>>
        tpu.wait_indirect_dma semaphore(%run_scoped3A : memref<!tpu.dma_semaphore, #tpu.memory_space<semaphore_mem>>) src(%arg8 : memref<128x128xf32, #tpu.memory_space<vmem>>) dst(%dma_wait3A_31 : memref<10240x128xf32, #tpu.memory_space<vmem_shared>>)
        tpu.yield
      }) : () -> ()
    }
    %scan3A_18 = arith.constant 79 : i32
    %barrier3A_19 = arith.constant 0 : index
    tpu.barrier barrier_id(%barrier3A_19)
    "tpu.region"() ({
      %run_scoped3A = tpu.sem_alloc : memref<!tpu.dma_semaphore, #tpu.memory_space<semaphore_mem>>
      %dma_start3A = arith.constant 0 : i32
      %dma_start3A_20 = arith.constant 0 : i32
      %dma_start3A_21 = tpu.memref_slice %arg5[%arg0, %dma_start3A, %dma_start3A_20] : memref<2x10240x128xf32, #tpu.memory_space<hbm>> -> memref<1x10240x128xf32, #tpu.memory_space<hbm>>
      %dma_start3A_22 = tpu.memref_squeeze %dma_start3A_21 : memref<1x10240x128xf32, #tpu.memory_space<hbm>> -> memref<10240x128xf32, #tpu.memory_space<hbm>>
      %dma_start3A_23 = arith.constant 0 : i32
      %dma_start3A_24 = tpu.memref_slice %dma_start3A_22[%multiple_of3A, %dma_start3A_23] : memref<10240x128xf32, #tpu.memory_space<hbm>> -> memref<640x128xf32, #tpu.memory_space<hbm>>
      %dma_start3A_25 = arith.constant 0 : i32
      %dma_start3A_26 = tpu.memref_slice %arg9[%multiple_of3A, %dma_start3A_25] : memref<10240x128xf32, #tpu.memory_space<vmem_shared>> -> memref<640x128xf32, #tpu.memory_space<vmem_shared>>
      tpu.enqueue_dma source(%dma_start3A_26 : memref<640x128xf32, #tpu.memory_space<vmem_shared>>) target(%dma_start3A_24 : memref<640x128xf32, #tpu.memory_space<hbm>>) target_semaphore(%run_scoped3A : memref<!tpu.dma_semaphore, #tpu.memory_space<semaphore_mem>>)
      %dma_wait3A = arith.constant 0 : i32
      %dma_wait3A_27 = arith.constant 0 : i32
      %dma_wait3A_28 = tpu.memref_slice %arg5[%arg0, %dma_wait3A, %dma_wait3A_27] : memref<2x10240x128xf32, #tpu.memory_space<hbm>> -> memref<1x10240x128xf32, #tpu.memory_space<hbm>>
      %dma_wait3A_29 = tpu.memref_squeeze %dma_wait3A_28 : memref<1x10240x128xf32, #tpu.memory_space<hbm>> -> memref<10240x128xf32, #tpu.memory_space<hbm>>
      %dma_wait3A_30 = arith.constant 0 : i32
      %dma_wait3A_31 = tpu.memref_slice %dma_wait3A_29[%multiple_of3A, %dma_wait3A_30] : memref<10240x128xf32, #tpu.memory_space<hbm>> -> memref<640x128xf32, #tpu.memory_space<hbm>>
      %dma_wait3A_32 = arith.constant 0 : i32
      %dma_wait3A_33 = tpu.memref_slice %arg9[%multiple_of3A, %dma_wait3A_32] : memref<10240x128xf32, #tpu.memory_space<vmem_shared>> -> memref<640x128xf32, #tpu.memory_space<vmem_shared>>
      tpu.wait_dma2 semaphore(%run_scoped3A : memref<!tpu.dma_semaphore, #tpu.memory_space<semaphore_mem>>) src(%dma_wait3A_33 : memref<640x128xf32, #tpu.memory_space<vmem_shared>>) dst(%dma_wait3A_31 : memref<640x128xf32, #tpu.memory_space<hbm>>)
      tpu.yield
    }) : () -> ()
    return
  }
}

#map = affine_map<(d0, d1) -> (0)>
#map1 = affine_map<(d0, d1) -> (0, 0)>
module attributes {stable_mosaic.version = 14 : i64} {
  func.func @_deg_kernel(%arg0: i32, %arg1: i32, %arg2: memref<323584xi32, #tpu.memory_space<hbm>>, %arg3: memref<2560x128xf32, #tpu.memory_space<hbm>>, %arg4: memref<10112xi32, #tpu.memory_space<vmem>>, %arg5: memref<80x128xf32, #tpu.memory_space<vmem>>) attributes {dimension_semantics = [#tpu.dimension_semantics<core_parallel>, #tpu.dimension_semantics<subcore_parallel>], iteration_bounds = array<i64: 2, 16>, scalar_prefetch = 0 : i64, scratch_operands = 2 : i64, tpu.core_type = #tpu.core_type<sc_vector_subcore>, window_params = [{transform_indices = #map}, {transform_indices = #map1}]} {
    %mul3A = arith.constant 16 : i32
    %mul3A_0 = arith.muli %arg0, %mul3A : i32
    %add3A = arith.addi %mul3A_0, %arg1 : i32
    %scan3A = arith.constant 0 : i32
    %scan3A_1 = arith.constant 80 : i32
    %scan3A_2 = arith.addi %scan3A, %scan3A_1 : i32
    %scan3A_3 = arith.constant 1 : i32
    scf.for %scan3A_15 = %scan3A to %scan3A_2 step %scan3A_3  : i32 {
      %mul3A_16 = arith.constant 1 : i32
      %mul3A_17 = arith.muli %scan3A_15, %mul3A_16 : i32
      %add3A_18 = arith.constant 0 : i32
      %add3A_19 = arith.addi %add3A_18, %mul3A_17 : i32
      %broadcast_in_dim3A = arith.constant 0.000000e+00 : f32
      %broadcast_in_dim3A_20 = vector.broadcast %broadcast_in_dim3A : f32 to vector<16xf32>
      %swap3A = arith.index_cast %add3A_19 : i32 to index
      %swap3A_21 = arith.constant 0 : index
      %swap3A_22 = tpu.vector_load %arg5[%swap3A, %swap3A_21] {strides = array<i32>} : memref<80x128xf32, #tpu.memory_space<vmem>>, vector<16xf32>,
      tpu.vector_store %arg5[%swap3A, %swap3A_21], %broadcast_in_dim3A_20 {strides = array<i32>} : memref<80x128xf32, #tpu.memory_space<vmem>>, vector<16xf32>,
      %broadcast_in_dim3A_23 = arith.constant 0.000000e+00 : f32
      %broadcast_in_dim3A_24 = vector.broadcast %broadcast_in_dim3A_23 : f32 to vector<16xf32>
      %swap3A_25 = arith.index_cast %add3A_19 : i32 to index
      %swap3A_26 = arith.constant 16 : index
      %swap3A_27 = tpu.vector_load %arg5[%swap3A_25, %swap3A_26] {strides = array<i32>} : memref<80x128xf32, #tpu.memory_space<vmem>>, vector<16xf32>,
      tpu.vector_store %arg5[%swap3A_25, %swap3A_26], %broadcast_in_dim3A_24 {strides = array<i32>} : memref<80x128xf32, #tpu.memory_space<vmem>>, vector<16xf32>,
      %broadcast_in_dim3A_28 = arith.constant 0.000000e+00 : f32
      %broadcast_in_dim3A_29 = vector.broadcast %broadcast_in_dim3A_28 : f32 to vector<16xf32>
      %swap3A_30 = arith.index_cast %add3A_19 : i32 to index
      %swap3A_31 = arith.constant 32 : index
      %swap3A_32 = tpu.vector_load %arg5[%swap3A_30, %swap3A_31] {strides = array<i32>} : memref<80x128xf32, #tpu.memory_space<vmem>>, vector<16xf32>,
      tpu.vector_store %arg5[%swap3A_30, %swap3A_31], %broadcast_in_dim3A_29 {strides = array<i32>} : memref<80x128xf32, #tpu.memory_space<vmem>>, vector<16xf32>,
      %broadcast_in_dim3A_33 = arith.constant 0.000000e+00 : f32
      %broadcast_in_dim3A_34 = vector.broadcast %broadcast_in_dim3A_33 : f32 to vector<16xf32>
      %swap3A_35 = arith.index_cast %add3A_19 : i32 to index
      %swap3A_36 = arith.constant 48 : index
      %swap3A_37 = tpu.vector_load %arg5[%swap3A_35, %swap3A_36] {strides = array<i32>} : memref<80x128xf32, #tpu.memory_space<vmem>>, vector<16xf32>,
      tpu.vector_store %arg5[%swap3A_35, %swap3A_36], %broadcast_in_dim3A_34 {strides = array<i32>} : memref<80x128xf32, #tpu.memory_space<vmem>>, vector<16xf32>,
      %broadcast_in_dim3A_38 = arith.constant 0.000000e+00 : f32
      %broadcast_in_dim3A_39 = vector.broadcast %broadcast_in_dim3A_38 : f32 to vector<16xf32>
      %swap3A_40 = arith.index_cast %add3A_19 : i32 to index
      %swap3A_41 = arith.constant 64 : index
      %swap3A_42 = tpu.vector_load %arg5[%swap3A_40, %swap3A_41] {strides = array<i32>} : memref<80x128xf32, #tpu.memory_space<vmem>>, vector<16xf32>,
      tpu.vector_store %arg5[%swap3A_40, %swap3A_41], %broadcast_in_dim3A_39 {strides = array<i32>} : memref<80x128xf32, #tpu.memory_space<vmem>>, vector<16xf32>,
      %broadcast_in_dim3A_43 = arith.constant 0.000000e+00 : f32
      %broadcast_in_dim3A_44 = vector.broadcast %broadcast_in_dim3A_43 : f32 to vector<16xf32>
      %swap3A_45 = arith.index_cast %add3A_19 : i32 to index
      %swap3A_46 = arith.constant 80 : index
      %swap3A_47 = tpu.vector_load %arg5[%swap3A_45, %swap3A_46] {strides = array<i32>} : memref<80x128xf32, #tpu.memory_space<vmem>>, vector<16xf32>,
      tpu.vector_store %arg5[%swap3A_45, %swap3A_46], %broadcast_in_dim3A_44 {strides = array<i32>} : memref<80x128xf32, #tpu.memory_space<vmem>>, vector<16xf32>,
      %broadcast_in_dim3A_48 = arith.constant 0.000000e+00 : f32
      %broadcast_in_dim3A_49 = vector.broadcast %broadcast_in_dim3A_48 : f32 to vector<16xf32>
      %swap3A_50 = arith.index_cast %add3A_19 : i32 to index
      %swap3A_51 = arith.constant 96 : index
      %swap3A_52 = tpu.vector_load %arg5[%swap3A_50, %swap3A_51] {strides = array<i32>} : memref<80x128xf32, #tpu.memory_space<vmem>>, vector<16xf32>,
      tpu.vector_store %arg5[%swap3A_50, %swap3A_51], %broadcast_in_dim3A_49 {strides = array<i32>} : memref<80x128xf32, #tpu.memory_space<vmem>>, vector<16xf32>,
      %broadcast_in_dim3A_53 = arith.constant 0.000000e+00 : f32
      %broadcast_in_dim3A_54 = vector.broadcast %broadcast_in_dim3A_53 : f32 to vector<16xf32>
      %swap3A_55 = arith.index_cast %add3A_19 : i32 to index
      %swap3A_56 = arith.constant 112 : index
      %swap3A_57 = tpu.vector_load %arg5[%swap3A_55, %swap3A_56] {strides = array<i32>} : memref<80x128xf32, #tpu.memory_space<vmem>>, vector<16xf32>,
      tpu.vector_store %arg5[%swap3A_55, %swap3A_56], %broadcast_in_dim3A_54 {strides = array<i32>} : memref<80x128xf32, #tpu.memory_space<vmem>>, vector<16xf32>,
    }
    %scan3A_4 = arith.constant 80 : i32
    %mul3A_5 = arith.constant 10112 : i32
    %mul3A_6 = arith.muli %add3A, %mul3A_5 : i32
    %multiple_of3A = tpu.assume_multiple %mul3A_6, 128 : i32
    "tpu.region"() ({
      %run_scoped3A = tpu.sem_alloc : memref<!tpu.dma_semaphore, #tpu.memory_space<semaphore_mem>>
      %dma_start3A = tpu.memref_slice %arg2[%multiple_of3A] : memref<323584xi32, #tpu.memory_space<hbm>> -> memref<10112xi32, #tpu.memory_space<hbm>>
      %dma_start3A_15 = tpu.memref_slice %arg2[%multiple_of3A] : memref<323584xi32, #tpu.memory_space<hbm>> -> memref<10112xi32, #tpu.memory_space<hbm>>
      tpu.enqueue_dma source(%dma_start3A_15 : memref<10112xi32, #tpu.memory_space<hbm>>) target(%arg4 : memref<10112xi32, #tpu.memory_space<vmem>>) target_semaphore(%run_scoped3A : memref<!tpu.dma_semaphore, #tpu.memory_space<semaphore_mem>>)
      %dma_wait3A = tpu.memref_slice %arg2[%multiple_of3A] : memref<323584xi32, #tpu.memory_space<hbm>> -> memref<10112xi32, #tpu.memory_space<hbm>>
      %dma_wait3A_16 = tpu.memref_slice %arg2[%multiple_of3A] : memref<323584xi32, #tpu.memory_space<hbm>> -> memref<10112xi32, #tpu.memory_space<hbm>>
      tpu.wait_dma2 semaphore(%run_scoped3A : memref<!tpu.dma_semaphore, #tpu.memory_space<semaphore_mem>>) src(%dma_wait3A_16 : memref<10112xi32, #tpu.memory_space<hbm>>) dst(%arg4 : memref<10112xi32, #tpu.memory_space<vmem>>)
      tpu.yield
    }) : () -> ()
    %scan3A_7 = arith.constant 0 : i32
    %scan3A_8 = arith.constant 632 : i32
    %scan3A_9 = arith.addi %scan3A_7, %scan3A_8 : i32
    %scan3A_10 = arith.constant 1 : i32
    scf.for %scan3A_15 = %scan3A_7 to %scan3A_9 step %scan3A_10  : i32 {
      %mul3A_16 = arith.constant 1 : i32
      %mul3A_17 = arith.muli %scan3A_15, %mul3A_16 : i32
      %add3A_18 = arith.constant 0 : i32
      %add3A_19 = arith.addi %add3A_18, %mul3A_17 : i32
      %mul3A_20 = arith.constant 16 : i32
      %mul3A_21 = arith.muli %add3A_19, %mul3A_20 : i32
      %get3A = arith.index_cast %mul3A_21 : i32 to index
      %get3A_22 = tpu.vector_load %arg4[%get3A] {strides = array<i32>} : memref<10112xi32, #tpu.memory_space<vmem>>, vector<16xi32>,
      %shift_right_arithmetic3A = arith.constant 7 : i32
      %shift_right_arithmetic3A_23 = vector.broadcast %shift_right_arithmetic3A : i32 to vector<16xi32>
      %shift_right_arithmetic3A_24 = arith.shrsi %get3A_22, %shift_right_arithmetic3A_23 : vector<16xi32>
      %and3A = arith.constant 127 : i32
      %and3A_25 = vector.broadcast %and3A : i32 to vector<16xi32>
      %and3A_26 = arith.andi %get3A_22, %and3A_25 : vector<16xi32>
      %broadcast_in_dim3A = arith.constant 1.000000e+00 : f32
      %broadcast_in_dim3A_27 = vector.broadcast %broadcast_in_dim3A : f32 to vector<16xf32>
      tpu.vector_store_idx %arg5[%shift_right_arithmetic3A_24, %and3A_26], %broadcast_in_dim3A_27 {add = true} : memref<80x128xf32, #tpu.memory_space<vmem>>[vector<16xi32>, vector<16xi32>], vector<16xf32>,
    }
    %scan3A_11 = arith.constant 632 : i32
    %mul3A_12 = arith.constant 80 : i32
    %mul3A_13 = arith.muli %add3A, %mul3A_12 : i32
    %multiple_of3A_14 = tpu.assume_multiple %mul3A_13, 8 : i32
    "tpu.region"() ({
      %run_scoped3A = tpu.sem_alloc : memref<!tpu.dma_semaphore, #tpu.memory_space<semaphore_mem>>
      %dma_start3A = arith.constant 0 : i32
      %dma_start3A_15 = tpu.memref_slice %arg3[%multiple_of3A_14, %dma_start3A] : memref<2560x128xf32, #tpu.memory_space<hbm>> -> memref<80x128xf32, #tpu.memory_space<hbm>>
      %dma_start3A_16 = arith.constant 0 : i32
      %dma_start3A_17 = tpu.memref_slice %arg3[%multiple_of3A_14, %dma_start3A_16] : memref<2560x128xf32, #tpu.memory_space<hbm>> -> memref<80x128xf32, #tpu.memory_space<hbm>>
      tpu.enqueue_dma source(%arg5 : memref<80x128xf32, #tpu.memory_space<vmem>>) target(%dma_start3A_17 : memref<80x128xf32, #tpu.memory_space<hbm>>) target_semaphore(%run_scoped3A : memref<!tpu.dma_semaphore, #tpu.memory_space<semaphore_mem>>)
      %dma_wait3A = arith.constant 0 : i32
      %dma_wait3A_18 = tpu.memref_slice %arg3[%multiple_of3A_14, %dma_wait3A] : memref<2560x128xf32, #tpu.memory_space<hbm>> -> memref<80x128xf32, #tpu.memory_space<hbm>>
      %dma_wait3A_19 = arith.constant 0 : i32
      %dma_wait3A_20 = tpu.memref_slice %arg3[%multiple_of3A_14, %dma_wait3A_19] : memref<2560x128xf32, #tpu.memory_space<hbm>> -> memref<80x128xf32, #tpu.memory_space<hbm>>
      tpu.wait_dma2 semaphore(%run_scoped3A : memref<!tpu.dma_semaphore, #tpu.memory_space<semaphore_mem>>) src(%arg5 : memref<80x128xf32, #tpu.memory_space<vmem>>) dst(%dma_wait3A_20 : memref<80x128xf32, #tpu.memory_space<hbm>>)
      tpu.yield
    }) : () -> ()
    return
  }
}

module attributes {stable_mosaic.version = 14 : i64} {
  func.func @_mm_body(%arg0: i32, %arg1: memref<640x128xf32, #tpu.memory_space<vmem>>, %arg2: memref<128x128xf32, #tpu.memory_space<vmem>>, %arg3: memref<640x128xf32, #tpu.memory_space<vmem>>) attributes {dimension_semantics = [#tpu.dimension_semantics<arbitrary>], iteration_bounds = array<i64: 16>, scalar_prefetch = 0 : i64, scratch_operands = 0 : i64, tpu.core_type = #tpu.core_type<tc>, window_params = [{transform_indices = @transform_0, window_bounds = array<i64: 640, 128>}, {pipeline_mode = #tpu.pipeline_mode<synchronous>, transform_indices = @transform_1, window_bounds = array<i64: 128, 128>}, {transform_indices = @transform_2, window_bounds = array<i64: 640, 128>}]} {
    %get3A = arith.constant 0 : index
    %get3A_0 = arith.constant 0 : index
    %get3A_1 = vector.load %arg1[%get3A, %get3A_0] : memref<640x128xf32, #tpu.memory_space<vmem>>, vector<640x128xf32>
    %get3A_2 = arith.constant 0 : index
    %get3A_3 = arith.constant 0 : index
    %get3A_4 = vector.load %arg2[%get3A_2, %get3A_3] : memref<128x128xf32, #tpu.memory_space<vmem>>, vector<128x128xf32>
    %dot_general3A = arith.constant dense<0.000000e+00> : vector<640x128xf32>
    %dot_general3A_5 = tpu.matmul %get3A_1, %get3A_4, %dot_general3A {dimension_numbers = #tpu.dot_dimension_numbers<[1], [0], [0], [1], [0, 0, 1, 1], [], []>, precision = #tpu.contract_precision<fp32>, transpose_lhs_hint = false} : vector<640x128xf32>, vector<128x128xf32>, vector<640x128xf32> -> vector<640x128xf32>
    %swap3A = arith.constant 0 : index
    %swap3A_6 = arith.constant 0 : index
    %swap3A_7 = vector.load %arg3[%swap3A, %swap3A_6] : memref<640x128xf32, #tpu.memory_space<vmem>>, vector<640x128xf32>
    tpu.vector_store %arg3[%swap3A, %swap3A_6], %dot_general3A_5 {strides = array<i32>} : memref<640x128xf32, #tpu.memory_space<vmem>>, vector<640x128xf32>,
    return
  }
  func.func @transform_0(%arg0: i32) -> (i32, i32) {
    %c0_i32 = arith.constant 0 : i32
    %c0_i32_0 = arith.constant 0 : i32
    return %arg0, %c0_i32 : i32, i32
  }
  func.func @transform_1(%arg0: i32) -> (i32, i32) {
    %c0_i32 = arith.constant 0 : i32
    %c0_i32_0 = arith.constant 0 : i32
    %c0_i32_1 = arith.constant 0 : i32
    return %c0_i32, %c0_i32_0 : i32, i32
  }
  func.func @transform_2(%arg0: i32) -> (i32, i32) {
    %c0_i32 = arith.constant 0 : i32
    %c0_i32_0 = arith.constant 0 : i32
    return %arg0, %c0_i32 : i32, i32
  }
}

module attributes {stable_mosaic.version = 14 : i64} {
  func.func @_scale_body(%arg0: i32, %arg1: memref<640x128xf32, #tpu.memory_space<vmem>>, %arg2: memref<640x1xf32, #tpu.memory_space<vmem>>, %arg3: memref<640x128xf32, #tpu.memory_space<vmem>>) attributes {dimension_semantics = [#tpu.dimension_semantics<arbitrary>], iteration_bounds = array<i64: 16>, scalar_prefetch = 0 : i64, scratch_operands = 0 : i64, tpu.core_type = #tpu.core_type<tc>, window_params = [{transform_indices = @transform_0, window_bounds = array<i64: 640, 128>}, {transform_indices = @transform_1, window_bounds = array<i64: 640, 1>}, {transform_indices = @transform_2, window_bounds = array<i64: 640, 128>}]} {
    %get3A = arith.constant 0 : index
    %get3A_0 = arith.constant 0 : index
    %get3A_1 = vector.load %arg1[%get3A, %get3A_0] : memref<640x128xf32, #tpu.memory_space<vmem>>, vector<640x128xf32>
    %get3A_2 = arith.constant 0 : index
    %get3A_3 = arith.constant 0 : index
    %get3A_4 = vector.load %arg2[%get3A_2, %get3A_3] : memref<640x1xf32, #tpu.memory_space<vmem>>, vector<640x1xf32>
    %rsqrt3A = math.rsqrt %get3A_4 : vector<640x1xf32>
    %mul3A = vector.broadcast %rsqrt3A : vector<640x1xf32> to vector<640x128xf32>
    %mul3A_5 = arith.mulf %get3A_1, %mul3A : vector<640x128xf32>
    %swap3A = arith.constant 0 : index
    %swap3A_6 = arith.constant 0 : index
    %swap3A_7 = vector.load %arg3[%swap3A, %swap3A_6] : memref<640x128xf32, #tpu.memory_space<vmem>>, vector<640x128xf32>
    tpu.vector_store %arg3[%swap3A, %swap3A_6], %mul3A_5 {strides = array<i32>} : memref<640x128xf32, #tpu.memory_space<vmem>>, vector<640x128xf32>,
    return
  }
  func.func @transform_0(%arg0: i32) -> (i32, i32) {
    %c0_i32 = arith.constant 0 : i32
    %c0_i32_0 = arith.constant 0 : i32
    return %arg0, %c0_i32 : i32, i32
  }
  func.func @transform_1(%arg0: i32) -> (i32, i32) {
    %c0_i32 = arith.constant 0 : i32
    %c0_i32_0 = arith.constant 0 : i32
    return %arg0, %c0_i32 : i32, i32
  }
  func.func @transform_2(%arg0: i32) -> (i32, i32) {
    %c0_i32 = arith.constant 0 : i32
    %c0_i32_0 = arith.constant 0 : i32
    return %arg0, %c0_i32 : i32, i32
  }
}

module attributes {stable_mosaic.version = 14 : i64} {
  func.func @_combine1_body(%arg0: i32, %arg1: memref<1x640x128xf32, #tpu.memory_space<vmem>>, %arg2: memref<1x640x128xf32, #tpu.memory_space<vmem>>, %arg3: memref<640x128xf32, #tpu.memory_space<vmem>>, %arg4: memref<640x1xf32, #tpu.memory_space<vmem>>, %arg5: memref<1x128xf32, #tpu.memory_space<vmem>>, %arg6: memref<128x128xf32, #tpu.memory_space<vmem>>, %arg7: memref<640x128xf32, #tpu.memory_space<vmem>>, %arg8: memref<640x128xf32, #tpu.memory_space<vmem>>) attributes {dimension_semantics = [#tpu.dimension_semantics<arbitrary>], iteration_bounds = array<i64: 16>, scalar_prefetch = 0 : i64, scratch_operands = 0 : i64, tpu.core_type = #tpu.core_type<tc>, window_params = [{transform_indices = @transform_0, window_bounds = array<i64: 1, 640, 128>}, {transform_indices = @transform_1, window_bounds = array<i64: 1, 640, 128>}, {transform_indices = @transform_2, window_bounds = array<i64: 640, 128>}, {transform_indices = @transform_3, window_bounds = array<i64: 640, 1>}, {pipeline_mode = #tpu.pipeline_mode<synchronous>, transform_indices = @transform_4, window_bounds = array<i64: 1, 128>}, {pipeline_mode = #tpu.pipeline_mode<synchronous>, transform_indices = @transform_5, window_bounds = array<i64: 128, 128>}, {transform_indices = @transform_6, window_bounds = array<i64: 640, 128>}, {transform_indices = @transform_7, window_bounds = array<i64: 640, 128>}]} {
    %get3A = arith.constant 0 : index
    %get3A_0 = arith.constant 0 : index
    %get3A_1 = vector.load %arg4[%get3A, %get3A_0] : memref<640x1xf32, #tpu.memory_space<vmem>>, vector<640x1xf32>
    %rsqrt3A = math.rsqrt %get3A_1 : vector<640x1xf32>
    %get3A_2 = arith.constant 0 : index
    %get3A_3 = arith.constant 0 : index
    %get3A_4 = arith.constant 0 : index
    %get3A_5 = vector.load %arg1[%get3A_2, %get3A_3, %get3A_4] : memref<1x640x128xf32, #tpu.memory_space<vmem>>, vector<1x640x128xf32>
    %get3A_6 = vector.shape_cast %get3A_5 : vector<1x640x128xf32> to vector<640x128xf32>
    %get3A_7 = arith.constant 0 : index
    %get3A_8 = arith.constant 0 : index
    %get3A_9 = arith.constant 0 : index
    %get3A_10 = vector.load %arg2[%get3A_7, %get3A_8, %get3A_9] : memref<1x640x128xf32, #tpu.memory_space<vmem>>, vector<1x640x128xf32>
    %get3A_11 = vector.shape_cast %get3A_10 : vector<1x640x128xf32> to vector<640x128xf32>
    %add3A = arith.addf %get3A_6, %get3A_11 : vector<640x128xf32>
    %get3A_12 = arith.constant 0 : index
    %get3A_13 = arith.constant 0 : index
    %get3A_14 = vector.load %arg3[%get3A_12, %get3A_13] : memref<640x128xf32, #tpu.memory_space<vmem>>, vector<640x128xf32>
    %add3A_15 = arith.addf %add3A, %get3A_14 : vector<640x128xf32>
    %mul3A = vector.broadcast %rsqrt3A : vector<640x1xf32> to vector<640x128xf32>
    %mul3A_16 = arith.mulf %mul3A, %add3A_15 : vector<640x128xf32>
    %get3A_17 = arith.constant 0 : index
    %get3A_18 = arith.constant 0 : index
    %get3A_19 = vector.load %arg5[%get3A_17, %get3A_18] : memref<1x128xf32, #tpu.memory_space<vmem>>, vector<1x128xf32>
    %add3A_20 = vector.broadcast %get3A_19 : vector<1x128xf32> to vector<640x128xf32>
    %add3A_21 = arith.addf %mul3A_16, %add3A_20 : vector<640x128xf32>
    %max3A = arith.constant 0.000000e+00 : f32
    %max3A_22 = vector.broadcast %max3A : f32 to vector<640x128xf32>
    %max3A_23 = arith.maximumf %add3A_21, %max3A_22 : vector<640x128xf32>
    %swap3A = arith.constant 0 : index
    %swap3A_24 = arith.constant 0 : index
    %swap3A_25 = vector.load %arg7[%swap3A, %swap3A_24] : memref<640x128xf32, #tpu.memory_space<vmem>>, vector<640x128xf32>
    tpu.vector_store %arg7[%swap3A, %swap3A_24], %max3A_23 {strides = array<i32>} : memref<640x128xf32, #tpu.memory_space<vmem>>, vector<640x128xf32>,
    %get3A_26 = arith.constant 0 : index
    %get3A_27 = arith.constant 0 : index
    %get3A_28 = vector.load %arg6[%get3A_26, %get3A_27] : memref<128x128xf32, #tpu.memory_space<vmem>>, vector<128x128xf32>
    %dot_general3A = arith.constant dense<0.000000e+00> : vector<640x128xf32>
    %dot_general3A_29 = tpu.matmul %max3A_23, %get3A_28, %dot_general3A {dimension_numbers = #tpu.dot_dimension_numbers<[1], [0], [0], [1], [0, 0, 1, 1], [], []>, precision = #tpu.contract_precision<fp32>, transpose_lhs_hint = false} : vector<640x128xf32>, vector<128x128xf32>, vector<640x128xf32> -> vector<640x128xf32>
    %mul3A_30 = vector.broadcast %rsqrt3A : vector<640x1xf32> to vector<640x128xf32>
    %mul3A_31 = arith.mulf %dot_general3A_29, %mul3A_30 : vector<640x128xf32>
    %swap3A_32 = arith.constant 0 : index
    %swap3A_33 = arith.constant 0 : index
    %swap3A_34 = vector.load %arg8[%swap3A_32, %swap3A_33] : memref<640x128xf32, #tpu.memory_space<vmem>>, vector<640x128xf32>
    tpu.vector_store %arg8[%swap3A_32, %swap3A_33], %mul3A_31 {strides = array<i32>} : memref<640x128xf32, #tpu.memory_space<vmem>>, vector<640x128xf32>,
    return
  }
  func.func @transform_0(%arg0: i32) -> (i32, i32, i32) {
    %c0_i32 = arith.constant 0 : i32
    %c0_i32_0 = arith.constant 0 : i32
    %c0_i32_1 = arith.constant 0 : i32
    return %c0_i32, %arg0, %c0_i32_0 : i32, i32, i32
  }
  func.func @transform_1(%arg0: i32) -> (i32, i32, i32) {
    %c1_i32 = arith.constant 1 : i32
    %c0_i32 = arith.constant 0 : i32
    %c0_i32_0 = arith.constant 0 : i32
    return %c1_i32, %arg0, %c0_i32 : i32, i32, i32
  }
  func.func @transform_2(%arg0: i32) -> (i32, i32) {
    %c0_i32 = arith.constant 0 : i32
    %c0_i32_0 = arith.constant 0 : i32
    return %arg0, %c0_i32 : i32, i32
  }
  func.func @transform_3(%arg0: i32) -> (i32, i32) {
    %c0_i32 = arith.constant 0 : i32
    %c0_i32_0 = arith.constant 0 : i32
    return %arg0, %c0_i32 : i32, i32
  }
  func.func @transform_4(%arg0: i32) -> (i32, i32) {
    %c0_i32 = arith.constant 0 : i32
    %c0_i32_0 = arith.constant 0 : i32
    %c0_i32_1 = arith.constant 0 : i32
    return %c0_i32, %c0_i32_0 : i32, i32
  }
  func.func @transform_5(%arg0: i32) -> (i32, i32) {
    %c0_i32 = arith.constant 0 : i32
    %c0_i32_0 = arith.constant 0 : i32
    %c0_i32_1 = arith.constant 0 : i32
    return %c0_i32, %c0_i32_0 : i32, i32
  }
  func.func @transform_6(%arg0: i32) -> (i32, i32) {
    %c0_i32 = arith.constant 0 : i32
    %c0_i32_0 = arith.constant 0 : i32
    return %arg0, %c0_i32 : i32, i32
  }
  func.func @transform_7(%arg0: i32) -> (i32, i32) {
    %c0_i32 = arith.constant 0 : i32
    %c0_i32_0 = arith.constant 0 : i32
    return %arg0, %c0_i32 : i32, i32
  }
}

module attributes {stable_mosaic.version = 14 : i64} {
  func.func @_combine2_body(%arg0: i32, %arg1: memref<1x400x128xf32, #tpu.memory_space<vmem>>, %arg2: memref<1x400x128xf32, #tpu.memory_space<vmem>>, %arg3: memref<400x128xf32, #tpu.memory_space<vmem>>, %arg4: memref<400x1xf32, #tpu.memory_space<vmem>>, %arg5: memref<1x128xf32, #tpu.memory_space<vmem>>, %arg6: memref<400x128xf32, #tpu.memory_space<vmem>>, %arg7: memref<400x256xf32, #tpu.memory_space<vmem>>) attributes {dimension_semantics = [#tpu.dimension_semantics<arbitrary>], iteration_bounds = array<i64: 25>, scalar_prefetch = 0 : i64, scratch_operands = 0 : i64, tpu.core_type = #tpu.core_type<tc>, window_params = [{transform_indices = @transform_0, window_bounds = array<i64: 1, 400, 128>}, {transform_indices = @transform_1, window_bounds = array<i64: 1, 400, 128>}, {transform_indices = @transform_2, window_bounds = array<i64: 400, 128>}, {transform_indices = @transform_3, window_bounds = array<i64: 400, 1>}, {pipeline_mode = #tpu.pipeline_mode<synchronous>, transform_indices = @transform_4, window_bounds = array<i64: 1, 128>}, {transform_indices = @transform_5, window_bounds = array<i64: 400, 128>}, {transform_indices = @transform_6, window_bounds = array<i64: 400, 256>}]} {
    %get3A = arith.constant 0 : index
    %get3A_0 = arith.constant 0 : index
    %get3A_1 = vector.load %arg4[%get3A, %get3A_0] : memref<400x1xf32, #tpu.memory_space<vmem>>, vector<400x1xf32>
    %rsqrt3A = math.rsqrt %get3A_1 : vector<400x1xf32>
    %get3A_2 = arith.constant 0 : index
    %get3A_3 = arith.constant 0 : index
    %get3A_4 = arith.constant 0 : index
    %get3A_5 = vector.load %arg1[%get3A_2, %get3A_3, %get3A_4] : memref<1x400x128xf32, #tpu.memory_space<vmem>>, vector<1x400x128xf32>
    %get3A_6 = vector.shape_cast %get3A_5 : vector<1x400x128xf32> to vector<400x128xf32>
    %get3A_7 = arith.constant 0 : index
    %get3A_8 = arith.constant 0 : index
    %get3A_9 = arith.constant 0 : index
    %get3A_10 = vector.load %arg2[%get3A_7, %get3A_8, %get3A_9] : memref<1x400x128xf32, #tpu.memory_space<vmem>>, vector<1x400x128xf32>
    %get3A_11 = vector.shape_cast %get3A_10 : vector<1x400x128xf32> to vector<400x128xf32>
    %add3A = arith.addf %get3A_6, %get3A_11 : vector<400x128xf32>
    %get3A_12 = arith.constant 0 : index
    %get3A_13 = arith.constant 0 : index
    %get3A_14 = vector.load %arg3[%get3A_12, %get3A_13] : memref<400x128xf32, #tpu.memory_space<vmem>>, vector<400x128xf32>
    %add3A_15 = arith.addf %add3A, %get3A_14 : vector<400x128xf32>
    %mul3A = vector.broadcast %rsqrt3A : vector<400x1xf32> to vector<400x128xf32>
    %mul3A_16 = arith.mulf %mul3A, %add3A_15 : vector<400x128xf32>
    %get3A_17 = arith.constant 0 : index
    %get3A_18 = arith.constant 0 : index
    %get3A_19 = vector.load %arg5[%get3A_17, %get3A_18] : memref<1x128xf32, #tpu.memory_space<vmem>>, vector<1x128xf32>
    %add3A_20 = vector.broadcast %get3A_19 : vector<1x128xf32> to vector<400x128xf32>
    %add3A_21 = arith.addf %mul3A_16, %add3A_20 : vector<400x128xf32>
    %max3A = arith.constant 0.000000e+00 : f32
    %max3A_22 = vector.broadcast %max3A : f32 to vector<400x128xf32>
    %max3A_23 = arith.maximumf %add3A_21, %max3A_22 : vector<400x128xf32>
    %get3A_24 = arith.constant 0 : index
    %get3A_25 = arith.constant 0 : index
    %get3A_26 = vector.load %arg6[%get3A_24, %get3A_25] : memref<400x128xf32, #tpu.memory_space<vmem>>, vector<400x128xf32>
    %concatenate3A = tpu.concatenate %get3A_26, %max3A_23 in 1 : vector<400x128xf32>, vector<400x128xf32> -> vector<400x256xf32>
    %swap3A = arith.constant 0 : index
    %swap3A_27 = arith.constant 0 : index
    %swap3A_28 = vector.load %arg7[%swap3A, %swap3A_27] : memref<400x256xf32, #tpu.memory_space<vmem>>, vector<400x256xf32>
    tpu.vector_store %arg7[%swap3A, %swap3A_27], %concatenate3A {strides = array<i32>} : memref<400x256xf32, #tpu.memory_space<vmem>>, vector<400x256xf32>,
    return
  }
  func.func @transform_0(%arg0: i32) -> (i32, i32, i32) {
    %c0_i32 = arith.constant 0 : i32
    %c0_i32_0 = arith.constant 0 : i32
    %c0_i32_1 = arith.constant 0 : i32
    return %c0_i32, %arg0, %c0_i32_0 : i32, i32, i32
  }
  func.func @transform_1(%arg0: i32) -> (i32, i32, i32) {
    %c1_i32 = arith.constant 1 : i32
    %c0_i32 = arith.constant 0 : i32
    %c0_i32_0 = arith.constant 0 : i32
    return %c1_i32, %arg0, %c0_i32 : i32, i32, i32
  }
  func.func @transform_2(%arg0: i32) -> (i32, i32) {
    %c0_i32 = arith.constant 0 : i32
    %c0_i32_0 = arith.constant 0 : i32
    return %arg0, %c0_i32 : i32, i32
  }
  func.func @transform_3(%arg0: i32) -> (i32, i32) {
    %c0_i32 = arith.constant 0 : i32
    %c0_i32_0 = arith.constant 0 : i32
    return %arg0, %c0_i32 : i32, i32
  }
  func.func @transform_4(%arg0: i32) -> (i32, i32) {
    %c0_i32 = arith.constant 0 : i32
    %c0_i32_0 = arith.constant 0 : i32
    %c0_i32_1 = arith.constant 0 : i32
    return %c0_i32, %c0_i32_0 : i32, i32
  }
  func.func @transform_5(%arg0: i32) -> (i32, i32) {
    %c0_i32 = arith.constant 0 : i32
    %c0_i32_0 = arith.constant 0 : i32
    return %arg0, %c0_i32 : i32, i32
  }
  func.func @transform_6(%arg0: i32) -> (i32, i32) {
    %c0_i32 = arith.constant 0 : i32
    %c0_i32_0 = arith.constant 0 : i32
    return %arg0, %c0_i32 : i32, i32
  }
}

</mosaic_0001>

<sc_bundles>
// kernel: kernel.12.cloned.1.call-start
scs
__scs_entry_jumppad:
0x0: {  	(pc) =	sbr.rel $0x88, $3  }
0x1: {  	(tag) =	ssettag $0x0;
	lr =	simm.s32 $0x1  }
0x2: {  	[smem:$0x3F9B] =	sst lr;
	_ =	strace $0xD0000000  }
0x3: {  	_ = 	snop  }
0x4: {  	_ = 	snop  }
0x5: {  	_ = 	snop  }
0x6: {  	_ = 	snop  }
0x7: {  	_ = 	snop  }
__scs_overlays_trampoline_lowered:
0x8: {  	[smem:$0x3FAA] =	sst s0  }
0x9: {  	[smem:$0x3FAB] =	sst s1  }
0xa: {  	[smem:$0x3FAC] =	sst s2  }
0xb: {  	[smem:$0x3FAD] =	sst s3  }
0xc: {  	[smem:$0x3FAE] =	sst s4  }
0xd: {  	[smem:$0x3FAF] =	sst s5  }
0xe: {  	[smem:$0x3FB0] =	sst s6  }
0xf: {  	[smem:$0x3FB1] =	sst s7  }
0x10: {  	[smem:$0x3FB2] =	sst s8  }
0x11: {  	[smem:$0x3FB3] =	sst s9;
	s0 =	simm.s32 @!p0 $0x0  }
0x12: {  	s1 =	sld [smem:$0x3F99];
	s0 =	simm.s32 @p0 $0x1  }
0x13: {  	[smem:$0x3FB4] =	sst s0;
	s0 =	simm.s32 @!p1 $0x0  }
0x14: {  	s2 =	sld [smem:$0x3F98];
	s0 =	simm.s32 @p1 $0x1  }
0x15: {  	[smem:$0x3FB5] =	sst s0;
	s0 =	simm.s32 @!p2 $0x0  }
0x16: {  	s3 =	sld [smem:$0x3FDB];
	s0 =	simm.s32 @p2 $0x1  }
0x17: {  	s4 =	simm.s32 $0x1BF5;
	[smem:$0x3FB7] =	sst s0  }
0x18: {  	s0 =	sld [smem:$0x3F9A];
	_ =	swait.ge [sflag:s4], $0x0  }
0x19: {  	s7 =	sld [smem:$0x3F9B]  }
0x1a: {  	s8 =	sadd.s32 $0xFFFFE003, lr  }
0x1b: {  	s9 =	sadd.s32 $0xFFFFFEF7, lr;
	s5 =	simm.s32 $0xFFFFFFFF;
	p2 =	slt.u32 s8, $0xFFFFF086  }
0x1c: {  	p1 =	slt.u32 s9, $0xF7A;
	s5 =	simm.s32 @!p2 $0x0  }
0x1d: {  	s5 =	simm.s32 @p1 $0x1;
	p0 =	seq.s32 s7, s2  }
0x1e: {  	s7 =	smul.u32 @!p0 $0xF7A, s2;
	p2 =	seq.s32 @!p0 s5, $0x0  }
0x1f: {  	s9 =	smul.u32 $0xF7A, s1;
	s8 =	simm.s32 @!p0 $0x1BF5;
	p2 =	por !p2, p0  }
0x20: {  	[sflag:s8] =	ssyncset.s32 @!p0 $0xFFFFF086;
	s6 =	sadd.s32 @!p0 s3, s7;
	s7 =	simm.s32 @!p0 $0x108  }
0x21: {  	s3 =	sadd.s32 s3, s9;
	s6 =	sadd.s32 @!p0 $0x88, s6;
	s7 =	simm.s32 @p2 $0x1082  }
0x22: {  	[simem:s7], [sflag:s8] =	dma.local @!p0 [hbm:s6], $0xF7A  }
0x23: {  	s9 =	sor.u32 $0xD0000000, s2;
	s6 =	simm.s32 $0x108;
	_ =	swait.ge @!p0 [sflag:s8], $0x0  }
0x24: {  	s3 =	sadd.s32 $0x88, s3;
	s6 =	simm.s32 @!p1 $0x1082;
	[sflag:s4] =	ssyncset.s32 $0xFFFFF086  }
0x25: {  	[simem:s6], [sflag:s4] =	dma.local [hbm:s3], $0xF7A  }
0x26: {  	[smem:$0x3F9B] =	sst s1;
	(tag) =	ssettag s2;
	_ =	strace s9  }
0x27: {  	s1 =	sld [smem:$0x3FAB]  }
0x28: {  	s2 =	sld [smem:$0x3FAC]  }
0x29: {  	s4 =	sld [smem:$0x3FAE]  }
0x2a: {  	p0 =	seq.s32 s5, $0x0;
	s5 =	sld [smem:$0x3FAF]  }
0x2b: {  	s6 =	sld [smem:$0x3FB0]  }
0x2c: {  	s7 =	sld [smem:$0x3FB1]  }
0x2d: {  	s3 =	simm.s32 $0x108;
	s8 =	sld [smem:$0x3FB2]  }
0x2e: {  	s3 =	simm.s32 @!p0 $0x1082;
	s9 =	sld [smem:$0x3FB3]  }
0x2f: {  	lr =	sadd.s32 s0, s3;
	s0 =	sld [smem:$0x3FAA]  }
0x30: {  	s3 =	sld [smem:$0x3FAD]  }
0x31: {  	[smem:$0x3FB6] =	sst s10  }
0x32: {  	s10 =	sld [smem:$0x3FB4];
	_ =	sdelay $0x3  }
0x33: {  	p0 =	seq.s32 s10, $0x1;
	s10 =	sld [smem:$0x3FB6];
	_ =	sdelay $0x3  }
0x34: {  	[smem:$0x3FB6] =	sst s10  }
0x35: {  	s10 =	sld [smem:$0x3FB5];
	_ =	sdelay $0x3  }
0x36: {  	p1 =	seq.s32 s10, $0x1;
	s10 =	sld [smem:$0x3FB6];
	_ =	sdelay $0x3  }
0x37: {  	[smem:$0x3FB6] =	sst s10  }
0x38: {  	s10 =	sld [smem:$0x3FB7]  }
0x39: {  	_ = 	snop;
	(pc) =	sbr.ind lr, $3  }
0x3a: {  	_ = 	snop  }
0x3b: {  	_ = 	snop  }
0x3c: {  	p2 =	seq.s32 s10, $0x1;
	s10 =	sld [smem:$0x3FB6]  }
0x3d: {  	_ =	shalt  }
0x3e: {  	_ =	shalt  }
0x3f: {  	_ =	shalt  }
0x40: {  	_ =	shalt  }
0x41: {  	_ =	shalt  }
0x42: {  	_ =	shalt  }
0x43: {  	_ =	shalt  }
0x44: {  	_ =	shalt  }
0x45: {  	_ =	shalt  }
0x46: {  	_ =	shalt  }
0x47: {  	_ =	shalt  }
0x48: {  	_ =	shalt  }
0x49: {  	_ =	shalt  }
0x4a: {  	_ =	shalt  }
0x4b: {  	_ =	shalt  }
0x4c: {  	_ =	shalt  }
0x4d: {  	_ =	shalt  }
0x4e: {  	_ =	shalt  }
0x4f: {  	_ =	shalt  }
0x50: {  	_ =	shalt  }
0x51: {  	_ =	shalt  }
0x52: {  	_ =	shalt  }
0x53: {  	_ =	shalt  }
0x54: {  	_ =	shalt  }
0x55: {  	_ =	shalt  }
0x56: {  	_ =	shalt  }
0x57: {  	_ =	shalt  }
0x58: {  	_ =	shalt  }
0x59: {  	_ =	shalt  }
0x5a: {  	_ =	shalt  }
0x5b: {  	_ =	shalt  }
0x5c: {  	_ =	shalt  }
0x5d: {  	_ =	shalt  }
0x5e: {  	_ =	shalt  }
0x5f: {  	_ =	shalt  }
0x60: {  	_ =	shalt  }
0x61: {  	_ =	shalt  }
0x62: {  	_ =	shalt  }
0x63: {  	_ =	shalt  }
0x64: {  	_ =	shalt  }
0x65: {  	_ =	shalt  }
0x66: {  	_ =	shalt  }
0x67: {  	_ =	shalt  }
0x68: {  	_ =	shalt  }
0x69: {  	_ =	shalt  }
0x6a: {  	_ =	shalt  }
0x6b: {  	_ =	shalt  }
0x6c: {  	_ =	shalt  }
0x6d: {  	_ =	shalt  }
0x6e: {  	_ =	shalt  }
0x6f: {  	_ =	shalt  }
0x70: {  	_ =	shalt  }
0x71: {  	_ =	shalt  }
0x72: {  	_ =	shalt  }
0x73: {  	_ =	shalt  }
0x74: {  	_ =	shalt  }
0x75: {  	_ =	shalt  }
0x76: {  	_ =	shalt  }
0x77: {  	_ =	shalt  }
0x78: {  	_ =	shalt  }
0x79: {  	_ =	shalt  }
0x7a: {  	_ =	shalt  }
0x7b: {  	_ =	shalt  }
0x7c: {  	_ =	shalt  }
0x7d: {  	_ =	shalt  }
0x7e: {  	_ =	shalt  }
0x7f: {  	_ =	shalt  }
0x80: {  	_ =	shalt  }
0x81: {  	_ =	shalt  }
0x82: {  	_ =	shalt  }
0x83: {  	_ =	shalt  }
0x84: {  	_ =	shalt  }
0x85: {  	_ =	shalt  }
0x86: {  	_ =	shalt  }
0x87: {  	_ =	shalt  }
.Lfunc_end0:
.L_simem_size_0:
called_computation.1_lowered:
.L_overlay_start_0:
0x88: {  	s2 =	sld [smem:$0x3FD9]  }
0x89: {  	s3 =	sld [smem:$0x3FFE];
	_ =	sdelay $0x1  }
0x8a: {  	s1 =	srdreg.scid  }
0x8b: {  	s0 =	sand.u32 $0x1, s1  }
0x8c: {  	s17 =	sshll.u32 s0, $0xA;
	s2 =	sadd.s32 s3, s2  }
0x8d: {  	s2 =	sadd.s32 s2, s17  }
0x8e: {  	[smem:$0x3FC2] =	sst s2  }
0x8f: {  	_ = 	snop  }
0x90: {  	s2 =	sld [smem:$0x3FD0];
	(tm) =	ssettm $0x1  }
0x91: {  	s18 =	sld [smem:$0x3FFB];
	_ =	sdelay $0x3  }
0x92: {  	_ =	strace s18  }
0x93: {  	s3 =	sld [smem:$0x3FFC];
	_ =	sdelay $0x3  }
0x94: {  	_ =	strace s3  }
0x95: {  	s3 =	sld [smem:$0x3FFD];
	_ =	sdelay $0x3  }
0x96: {  	_ =	strace s3  }
0x97: {  	_ =	strace $0x8FFFFFFF  }
0x98: {  	s19 =	sld [smem:$0x3FDB];
	_ =	sdelay $0x1  }
0x99: {  	s4 =	simm.s32 $_scs_section_size  }
0x9a: {  	s5 =	simm.s32 $_size__tile_overlayer_lowered;
	s6 =	simm.s32 $_tile_overlayer_lowered  }
0x9b: {  	s22 =	simm.s32 $0x1BFF;
	s21 =	sshll.u32 s6, $0x1;
	s3 =	sadd.s32 s4, s19  }
0x9c: {  	s7 =	simm.s32 $0x0;
	s20 =	sshll.u32 s5, $0x1;
	s5 =	sadd.s32 s21, s3  }
0x9d: {  	[timem:s7], [sflag:s22] =	dma.local [hbm:s5], s20  }
0x9e: {  	_ =	swait.ge [sflag:s22], s20  }
0x9f: {  	s4 =	ssub.s32 $0x0, s20;
	[sflag:s22] =	ssyncset.done $0x0  }
0xa0: {  	[sflag:s22] =	ssyncadd.s32 s4;
	_ =	sdelay $0x1  }
0xa1: {  	s23 =	simm.s32 $0x1B8B  }
0xa2: {  	_ =	swait.ge [sflag:s23], $0x1  }
0xa3: {  	[sflag:s23] =	ssyncset.done $0x0  }
0xa4: {  	s25 =	simm.s32 $0x1B8E;
	s24 =	sld [smem:$0x3FFE];
	[sflag:s23] =	ssyncadd.s32 $0xFFFFFFFF  }
0xa5: {  	s26 =	simm.s32 $execute0_lowered;
	[smem:$0x3FD2] =	sst s25  }
0xa6: {  	s5 =	sshll.u32 s26, $0x1;
	_ =	strace $0x80000049;
	[dreg:$0x1] =	wrdreg $0xFFFFFFFF  }
0xa7: {  	s28 =	simm.s32 $_size_execute0_lowered;
	s3 =	sadd.s32 s3, s5;
	[dreg:$0x0] =	wrdreg $0x0  }
0xa8: {  	s5 =	sshll.u32 s28, $0x1;
	[dreg:$0x2] =	wrdreg s3  }
0xa9: {  	[dreg:$0x3] =	wrdreg s5  }
0xaa: {  	[dreg:$0x4] =	wrdreg $0xC0  }
0xab: {  	_ =	task [dreg:s7], $0x5FFFF  }
0xac: {  	[dreg:$0x1] =	wrdreg $0xFFFFFFFF  }
0xad: {  	[dreg:$0x0] =	wrdreg $0x60  }
0xae: {  	[dreg:$0x2] =	wrdreg s2  }
0xaf: {  	[dreg:$0x3] =	wrdreg s24  }
0xb0: {  	[dreg:$0x4] =	wrdreg $0x41000  }
0xb1: {  	[dreg:$0x5] =	wrdreg $0x9  }
0xb2: {  	_ =	task.clear_ibuf [dreg:s7], $0x6FFFF;
	_ =	strace $0x90000049  }
0xb3: {  	s29 =	simm.s32 $0x9;
	_ =	strace $0x8000004B  }
0xb4: {  	_ =	swait.ge [sflag:s29], $0x1  }
0xb5: {  	[sflag:s29] =	ssyncadd.s32 $0xFFFFFFFF  }
0xb6: {  	_ =	strace $0x9000004B  }
0xb7: {  	_ =	sfence  }
0xb8: {  	s30 =	sld [smem:$0x0];
	_ =	sdelay $0x2  }
0xb9: {  	s31 =	sshll.u32 s1, $0xD;
	s1 =	sshrl.u32 s1, $0x2  }
0xba: {  	s3 =	sand.u32 $0x4000, s31;
	s1 =	sadd.s32 s1, s30  }
0xbb: {  	s0 =	sor.u32 s3, s0;
	s1 =	sshll.u32 s1, $0x11  }
0xbc: {  	s0 =	sor.u32 s1, s0  }
0xbd: {  	s0 =	sadd.s32 $0x8F2B, s0  }
0xbe: {  	[sflag:s0] =	ssyncadd.remote.s32 $0x1  }
0xbf: {  	_ =	sfence.sel $0xFFFF  }
0xc0: {  	[dreg:$0x0] =	wrdreg $0xFFFFFFFF;
	(pc) =	sbr.abs _section_cstart, $3  }
0xc1: {  	[dreg:$0x1] =	wrdreg $0xFFFFFFFF  }
0xc2: {  	_ =	task.clear_ibuf [dreg:s7], $0x2FFFF;
	_ =	strace $0x9FFFFFFF  }
0xc3: {  	(tm) =	ssettm $0x7FFFFFFF  }
tec
execute0_lowered:
.L_overlay_start_1:
0x0: {  	(tag) =	ssettag $0x1  }
0x1: {  	s1 =	rddreg [dreg:$0x0]  }
0x2: {  	s5 =	rddreg [dreg:$0x1]  }
0x3: {  	s2 =	rddreg [dreg:$0x2]  }
0x4: {  	s3 =	srdreg.scid;
	s0 =	rddreg [dreg:$0x3];
	s4 =	simm.s32 $0x0  }
0x5: {  	s13 =	simm.s32 $0x100;
	s14 =	simm.s32 $0x1;
	s15 =	simm.s32 $0x80  }
0x6: {  	s19 =	simm.s32 $0x0;
	s6 =	sand.u32 $0x1, s3;
	s3 =	stileid.u32  }
0x7: {  	[smem:$0x7FF] =	sst s4;
	s7 =	smul.u32 $0x28000, s6;
	s8 =	sshll.u32 s6, $0x8  }
0x8: {  	s9 =	smul.u32 $0x50000, s3;
	_ =	strace $0x8000004A;
	s6 =	ssub.s32 $0x2, s6  }
0x9: {  	s30 =	sshll.u32 s3, $0x4;
	s17 =	smul.u32 $0x2800, s3;
	s31 =	sshll.u32 s3, $0x6  }
0xa: {  	s10 =	sadd.s32 s8, s5;
	s28 =	sshrl.u32 s6, $0x1;
	s7 =	sadd.s32 s7, s5  }
0xb: {  	s29 =	sshrl.u32 s9, $0x2;
	s6 =	ssub.s32 s6, s28;
	s12 =	sadd.s32 s30, s10  }
0xc: {  	s5 =	sadd.s32 s29, s2;
	s16 =	sadd.s32 $0x15A00, s7;
	s6 =	smax.u32 s6, $0x1  }
0xd: {  	s11 =	sadd.s32 $0xBC00, s12;
	s12 =	sadd.s32 $0x1E00, s12;
	s7 =	sadd.s32 $0x4000, s5  }
0xe: {  	s8 =	sadd.s32 $0x8000, s5;
	s9 =	sadd.s32 $0xC000, s5;
	s10 =	sadd.s32 $0x10000, s5  }
0xf: {  	v0 =	vimm.f32 $0.0e+00;
	s16 =	sadd.s32 s17, s16;
	s17 =	sor.u32 $0x1C01, s31;
	s18 =	sshrl.u32 s5, $0x3  }
.LBB2_1:
0x10: {  	s20 =	simm.s32 $0x0;
	s21 =	simm.s32 $0x200  }
.LBB2_2:
0x11: {  	p0 =	sne.s32 s21, $0xFE00;
	[tilespmem:s20+$0x170] =	vst v0  }
0x12: {  	[tilespmem:s20+$0x100] =	vst v0  }
0x13: {  	[tilespmem:s20+$0x110] =	vst v0  }
.Ltmp0:
0x14: {  	[tilespmem:s20+$0x120] =	vst v0;
	(pc) =	sbr.rel @p0 .LBB2_2-.Ltmp0, $4  }
0x15: {  	[tilespmem:s20+$0x130] =	vst v0  }
0x16: {  	[tilespmem:s20+$0x140] =	vst v0  }
0x17: {  	[tilespmem:s20+$0x150] =	vst v0  }
0x18: {  	[tilespmem:s20+$0x160] =	vst v0;
	s20 =	sshra.s32 s21, $0x2;
	s21 =	sadd.s32 $0x200, s21  }
0x19: {  	[tilespmem:s20+$0x170] =	vst v0  }
0x1a: {  	[tilespmem:s20+$0x100] =	vst v0  }
0x1b: {  	[tilespmem:s20+$0x110] =	vst v0  }
0x1c: {  	[tilespmem:s20+$0x120] =	vst v0  }
0x1d: {  	[tilespmem:s20+$0x130] =	vst v0  }
0x1e: {  	[tilespmem:s20+$0x140] =	vst v0  }
0x1f: {  	[tilespmem:s20+$0x150] =	vst v0  }
0x20: {  	[tilespmem:s20+$0x160] =	vst v0  }
0x21: {  	[spmem:s5] =	stream.linear.scatter [tilespmem:s13], [sflag:$0x1], $0x4000, $0x38;
	[tilespmem:$0x18100] =	vst v63  }
0x22: {  	_ =	swait.ge [sflag:s14], $0x4000  }
0x23: {  	[sflag:s14] =	ssyncset.done $0x0  }
0x24: {  	[sflag:s14] =	ssyncadd.s32 $0xFFFFC000  }
0x25: {  	[spmem:s7] =	stream.linear.scatter [tilespmem:s13], [sflag:$0x1], $0x4000, $0x38;
	[tilespmem:$0x18100] =	vst v63  }
0x26: {  	_ =	swait.ge [sflag:s14], $0x4000  }
0x27: {  	[sflag:s14] =	ssyncset.done $0x0  }
0x28: {  	[sflag:s14] =	ssyncadd.s32 $0xFFFFC000  }
0x29: {  	[spmem:s8] =	stream.linear.scatter [tilespmem:s13], [sflag:$0x1], $0x4000, $0x38;
	[tilespmem:$0x18100] =	vst v63  }
0x2a: {  	_ =	swait.ge [sflag:s14], $0x4000  }
0x2b: {  	[sflag:s14] =	ssyncset.done $0x0  }
0x2c: {  	[sflag:s14] =	ssyncadd.s32 $0xFFFFC000  }
0x2d: {  	[spmem:s9] =	stream.linear.scatter [tilespmem:s13], [sflag:$0x1], $0x4000, $0x38;
	[tilespmem:$0x18100] =	vst v63  }
0x2e: {  	_ =	swait.ge [sflag:s14], $0x4000  }
0x2f: {  	[sflag:s14] =	ssyncset.done $0x0  }
0x30: {  	[sflag:s14] =	ssyncadd.s32 $0xFFFFC000  }
0x31: {  	[spmem:s10] =	stream.linear.scatter [tilespmem:s13], [sflag:$0x1], $0x4000, $0x38;
	[tilespmem:$0x18100] =	vst v63  }
0x32: {  	_ =	swait.ge [sflag:s14], $0x4000  }
0x33: {  	[sflag:s14] =	ssyncset.done $0x0  }
0x34: {  	[sflag:s14] =	ssyncadd.s32 $0xFFFFC000  }
0x35: {  	s30 =	sadd.s32 $0x0, s11;
	[bflag:$0x0] =	sbarrier.arrive $0xFFFF  }
0x36: {  	[tilespmem:s4], [sflag:$0x1] =	stream.linear.gather [hbm4b:s30+s4], $0x80, $0x38;
	[tilespmem:$0x18100] =	vst v63  }
0x37: {  	_ =	swait.ge [sflag:s14], $0x80  }
0x38: {  	[sflag:s14] =	ssyncset.done $0x0  }
0x39: {  	s31 =	sadd.s32 $0x0, s12;
	[sflag:s14] =	ssyncadd.s32 $0xFFFFFF80  }
0x3a: {  	[tilespmem:s15], [sflag:$0x1] =	stream.linear.gather [hbm4b:s31+s4], $0x80, $0x38;
	[tilespmem:$0x18100] =	vst v63  }
0x3b: {  	_ =	swait.ge [sflag:s14], $0x80  }
0x3c: {  	[sflag:s14] =	ssyncset.done $0x0  }
0x3d: {  	[sflag:s14] =	ssyncadd.s32 $0xFFFFFF80  }
0x3e: {  	[tilespmem:s13], [sflag:$0x1] =	stream.indirect.gather [hbm4b:s1+s15], $0x80, s4, s15, $0xb8;
	[tilespmem:$0x18100] =	vst v63  }
0x3f: {  	_ =	swait.ge [sflag:s14], $0x4000  }
0x40: {  	[sflag:s14] =	ssyncset.done $0x0  }
0x41: {  	[sflag:s14] =	ssyncadd.s32 $0xFFFFC000  }
0x42: {  	[spmem:s2] =	stream.indirect.scatter.add.f32 [tilespmem:s13], [sflag:$0x1], $0x80, s15, s15, $0xb8;
	[tilespmem:$0x18100] =	vst v63  }
0x43: {  	_ =	swait.ge [sflag:s14], $0x4000  }
0x44: {  	s20 =	simm.s32 $0x200;
	s21 =	simm.s32 $0x400;
	[sflag:s14] =	ssyncset.done $0x0  }
.LBB2_4:
0x45: {  	s22 =	sadd.s32 s20, s11  }
0x46: {  	[sflag:s14] =	ssyncadd.s32 $0xFFFFC000;
	s23 =	smov.u32 s21;
	s24 =	sadd.s32 $0x200, s21  }
0x47: {  	[tilespmem:s4], [sflag:$0x1] =	stream.linear.gather [hbm4b:s22+s4], $0x80, $0x38;
	[tilespmem:$0x18100] =	vst v63  }
0x48: {  	p0 =	sne.s32 s21, $0x9C00;
	_ =	swait.ge [sflag:s14], $0x80  }
0x49: {  	[sflag:s14] =	ssyncset.done $0x0  }
0x4a: {  	s21 =	sadd.s32 s20, s12;
	s20 =	smov.u32 s23;
	[sflag:s14] =	ssyncadd.s32 $0xFFFFFF80  }
0x4b: {  	[tilespmem:s15], [sflag:$0x1] =	stream.linear.gather [hbm4b:s21+s4], $0x80, $0x38;
	[tilespmem:$0x18100] =	vst v63  }
0x4c: {  	_ =	swait.ge [sflag:s14], $0x80  }
0x4d: {  	[sflag:s14] =	ssyncset.done $0x0  }
0x4e: {  	[sflag:s14] =	ssyncadd.s32 $0xFFFFFF80  }
0x4f: {  	[tilespmem:s13], [sflag:$0x1] =	stream.indirect.gather [hbm4b:s1+s15], $0x80, s4, s15, $0xb8;
	[tilespmem:$0x18100] =	vst v63  }
0x50: {  	_ =	swait.ge [sflag:s14], $0x4000  }
.Ltmp1:
0x51: {  	[sflag:s14] =	ssyncset.done $0x0;
	(pc) =	sbr.rel @p0 .LBB2_4-.Ltmp1, $4  }
0x52: {  	[sflag:s14] =	ssyncadd.s32 $0xFFFFC000  }
0x53: {  	[spmem:s2] =	stream.indirect.scatter.add.f32 [tilespmem:s13], [sflag:$0x1], $0x80, s15, s15, $0xb8;
	[tilespmem:$0x18100] =	vst v63  }
0x54: {  	_ =	swait.ge [sflag:s14], $0x4000  }
0x55: {  	s21 =	smov.u32 s24;
	[sflag:s14] =	ssyncset.done $0x0  }
0x56: {  	s21 =	sadd.s32 s20, s11;
	[sflag:s14] =	ssyncadd.s32 $0xFFFFC000  }
0x57: {  	[tilespmem:s4], [sflag:$0x1] =	stream.linear.gather [hbm4b:s21+s4], $0x80, $0x38;
	[tilespmem:$0x18100] =	vst v63  }
0x58: {  	_ =	swait.ge [sflag:s14], $0x80  }
0x59: {  	[sflag:s14] =	ssyncset.done $0x0  }
0x5a: {  	s31 =	sadd.s32 s20, s12;
	[sflag:s14] =	ssyncadd.s32 $0xFFFFFF80  }
0x5b: {  	[tilespmem:s15], [sflag:$0x1] =	stream.linear.gather [hbm4b:s31+s4], $0x80, $0x38;
	[tilespmem:$0x18100] =	vst v63  }
0x5c: {  	_ =	swait.ge [sflag:s14], $0x80  }
0x5d: {  	[sflag:s14] =	ssyncset.done $0x0  }
0x5e: {  	[sflag:s14] =	ssyncadd.s32 $0xFFFFFF80  }
0x5f: {  	[tilespmem:s13], [sflag:$0x1] =	stream.indirect.gather [hbm4b:s1+s15], $0x80, s4, s15, $0xb8;
	[tilespmem:$0x18100] =	vst v63  }
0x60: {  	_ =	swait.ge [sflag:s14], $0x4000  }
0x61: {  	[sflag:s14] =	ssyncset.done $0x0  }
0x62: {  	[sflag:s14] =	ssyncadd.s32 $0xFFFFC000  }
0x63: {  	[spmem:s2] =	stream.indirect.scatter.add.f32 [tilespmem:s13], [sflag:$0x1], $0x80, s15, s15, $0xb8;
	[tilespmem:$0x18100] =	vst v63  }
0x64: {  	_ =	swait.ge [sflag:s14], $0x4000  }
0x65: {  	s19 =	sadd.s32 $0x1, s19;
	[sflag:s14] =	ssyncset.done $0x0  }
0x66: {  	p0 =	sne.s32 s19, s6;
	[sflag:s14] =	ssyncadd.s32 $0xFFFFC000  }
.Ltmp2:
0x67: {  	[bflag:$0x0] =	sbarrier.arrive $0xFFFF;
	(pc) =	sbr.rel @p0 .LBB2_1-.Ltmp2, $4  }
0x68: {  	[hbm:s16], [sflag:s17] =	dma.local [spmem:s18], $0x2800  }
0x69: {  	_ =	swait.ge [sflag:s14], $0x2800  }
0x6a: {  	[sflag:s14] =	ssyncset.done $0x0  }
0x6b: {  	[sflag:s14] =	ssyncadd.s32 $0xFFFFD800  }
0x6c: {  	_ =	sfence.sel $0x180000  }
0x6d: {  	[bflag:$0x0] =	sbarrier.arrive $0xFFFF  }
0x6e: {  	p0 =	sne.s32 s3, $0x0;
	_ =	strace $0x9000004A  }
0x6f: {  	s0 =	sadd.s32 @!p0 $0x100000, s0;
	[bflag:$0x2] =	sbarrier.arrive $0xFFFF  }
0x70: {  	[sflag:s0] =	ssyncadd.tile.s32 @!p0 $0x1;
	_ =	shalt  }
.Lfunc_end2:
_tile_overlayer_lowered:
.L_overlay_start_2:
0x71: {  	(tag) =	ssettag $0x2  }
0x72: {  	s0 =	rddreg [dreg:$0x0];
	s2 =	stileid.u32  }
0x73: {  	s1 =	rddreg [dreg:$0x1];
	p0 =	sne.s32 s2, $0x0  }
0x74: {  	s3 =	rddreg [dreg:$0x2];
	[bflag:$0x3] =	sbarrier.arrive $0xFFFF;
	s2 =	simm.s32 @!p0 $0x1C01  }
0x75: {  	[timem:s3], [sflag:s2] =	dma.local @!p0 [hbm:s0], s1  }
0x76: {  	s0 =	simm.s32 @!p0 $0x1  }
0x77: {  	_ =	swait.ge @!p0 [sflag:s0], s1  }
0x78: {  	s1 =	ssub.s32 @!p0 $0x0, s1;
	[sflag:s0] =	ssyncset.done @!p0 $0x0  }
0x79: {  	[sflag:s0] =	ssyncadd.s32 @!p0 s1  }
0x7a: {  	[bflag:$0x3] =	sbarrier.arrive $0xFFFF  }
0x7b: {  	_ =	shalt  }

// kernel: kernel.15.cloned.1.call-start
scs
__scs_entry_jumppad:
0x0: {  	(pc) =	sbr.rel $0x88, $3  }
0x1: {  	(tag) =	ssettag $0x0;
	lr =	simm.s32 $0x1  }
0x2: {  	[smem:$0x3F9B] =	sst lr;
	_ =	strace $0xD0000000  }
0x3: {  	_ = 	snop  }
0x4: {  	_ = 	snop  }
0x5: {  	_ = 	snop  }
0x6: {  	_ = 	snop  }
0x7: {  	_ = 	snop  }
__scs_overlays_trampoline_lowered:
0x8: {  	[smem:$0x3FAA] =	sst s0  }
0x9: {  	[smem:$0x3FAB] =	sst s1  }
0xa: {  	[smem:$0x3FAC] =	sst s2  }
0xb: {  	[smem:$0x3FAD] =	sst s3  }
0xc: {  	[smem:$0x3FAE] =	sst s4  }
0xd: {  	[smem:$0x3FAF] =	sst s5  }
0xe: {  	[smem:$0x3FB0] =	sst s6  }
0xf: {  	[smem:$0x3FB1] =	sst s7  }
0x10: {  	[smem:$0x3FB2] =	sst s8  }
0x11: {  	[smem:$0x3FB3] =	sst s9;
	s0 =	simm.s32 @!p0 $0x0  }
0x12: {  	s1 =	sld [smem:$0x3F99];
	s0 =	simm.s32 @p0 $0x1  }
0x13: {  	[smem:$0x3FB4] =	sst s0;
	s0 =	simm.s32 @!p1 $0x0  }
0x14: {  	s2 =	sld [smem:$0x3F98];
	s0 =	simm.s32 @p1 $0x1  }
0x15: {  	[smem:$0x3FB5] =	sst s0;
	s0 =	simm.s32 @!p2 $0x0  }
0x16: {  	s3 =	sld [smem:$0x3FDB];
	s0 =	simm.s32 @p2 $0x1  }
0x17: {  	s4 =	simm.s32 $0x1BF5;
	[smem:$0x3FB7] =	sst s0  }
0x18: {  	s0 =	sld [smem:$0x3F9A];
	_ =	swait.ge [sflag:s4], $0x0  }
0x19: {  	s7 =	sld [smem:$0x3F9B]  }
0x1a: {  	s8 =	sadd.s32 $0xFFFFE003, lr  }
0x1b: {  	s9 =	sadd.s32 $0xFFFFFEF7, lr;
	s5 =	simm.s32 $0xFFFFFFFF;
	p2 =	slt.u32 s8, $0xFFFFF086  }
0x1c: {  	p1 =	slt.u32 s9, $0xF7A;
	s5 =	simm.s32 @!p2 $0x0  }
0x1d: {  	s5 =	simm.s32 @p1 $0x1;
	p0 =	seq.s32 s7, s2  }
0x1e: {  	s7 =	smul.u32 @!p0 $0xF7A, s2;
	p2 =	seq.s32 @!p0 s5, $0x0  }
0x1f: {  	s9 =	smul.u32 $0xF7A, s1;
	s8 =	simm.s32 @!p0 $0x1BF5;
	p2 =	por !p2, p0  }
0x20: {  	[sflag:s8] =	ssyncset.s32 @!p0 $0xFFFFF086;
	s6 =	sadd.s32 @!p0 s3, s7;
	s7 =	simm.s32 @!p0 $0x108  }
0x21: {  	s3 =	sadd.s32 s3, s9;
	s6 =	sadd.s32 @!p0 $0x88, s6;
	s7 =	simm.s32 @p2 $0x1082  }
0x22: {  	[simem:s7], [sflag:s8] =	dma.local @!p0 [hbm:s6], $0xF7A  }
0x23: {  	s9 =	sor.u32 $0xD0000000, s2;
	s6 =	simm.s32 $0x108;
	_ =	swait.ge @!p0 [sflag:s8], $0x0  }
0x24: {  	s3 =	sadd.s32 $0x88, s3;
	s6 =	simm.s32 @!p1 $0x1082;
	[sflag:s4] =	ssyncset.s32 $0xFFFFF086  }
0x25: {  	[simem:s6], [sflag:s4] =	dma.local [hbm:s3], $0xF7A  }
0x26: {  	[smem:$0x3F9B] =	sst s1;
	(tag) =	ssettag s2;
	_ =	strace s9  }
0x27: {  	s1 =	sld [smem:$0x3FAB]  }
0x28: {  	s2 =	sld [smem:$0x3FAC]  }
0x29: {  	s4 =	sld [smem:$0x3FAE]  }
0x2a: {  	p0 =	seq.s32 s5, $0x0;
	s5 =	sld [smem:$0x3FAF]  }
0x2b: {  	s6 =	sld [smem:$0x3FB0]  }
0x2c: {  	s7 =	sld [smem:$0x3FB1]  }
0x2d: {  	s3 =	simm.s32 $0x108;
	s8 =	sld [smem:$0x3FB2]  }
0x2e: {  	s3 =	simm.s32 @!p0 $0x1082;
	s9 =	sld [smem:$0x3FB3]  }
0x2f: {  	lr =	sadd.s32 s0, s3;
	s0 =	sld [smem:$0x3FAA]  }
0x30: {  	s3 =	sld [smem:$0x3FAD]  }
0x31: {  	[smem:$0x3FB6] =	sst s10  }
0x32: {  	s10 =	sld [smem:$0x3FB4];
	_ =	sdelay $0x3  }
0x33: {  	p0 =	seq.s32 s10, $0x1;
	s10 =	sld [smem:$0x3FB6];
	_ =	sdelay $0x3  }
0x34: {  	[smem:$0x3FB6] =	sst s10  }
0x35: {  	s10 =	sld [smem:$0x3FB5];
	_ =	sdelay $0x3  }
0x36: {  	p1 =	seq.s32 s10, $0x1;
	s10 =	sld [smem:$0x3FB6];
	_ =	sdelay $0x3  }
0x37: {  	[smem:$0x3FB6] =	sst s10  }
0x38: {  	s10 =	sld [smem:$0x3FB7]  }
0x39: {  	_ = 	snop;
	(pc) =	sbr.ind lr, $3  }
0x3a: {  	_ = 	snop  }
0x3b: {  	_ = 	snop  }
0x3c: {  	p2 =	seq.s32 s10, $0x1;
	s10 =	sld [smem:$0x3FB6]  }
0x3d: {  	_ =	shalt  }
0x3e: {  	_ =	shalt  }
0x3f: {  	_ =	shalt  }
0x40: {  	_ =	shalt  }
0x41: {  	_ =	shalt  }
0x42: {  	_ =	shalt  }
0x43: {  	_ =	shalt  }
0x44: {  	_ =	shalt  }
0x45: {  	_ =	shalt  }
0x46: {  	_ =	shalt  }
0x47: {  	_ =	shalt  }
0x48: {  	_ =	shalt  }
0x49: {  	_ =	shalt  }
0x4a: {  	_ =	shalt  }
0x4b: {  	_ =	shalt  }
0x4c: {  	_ =	shalt  }
0x4d: {  	_ =	shalt  }
0x4e: {  	_ =	shalt  }
0x4f: {  	_ =	shalt  }
0x50: {  	_ =	shalt  }
0x51: {  	_ =	shalt  }
0x52: {  	_ =	shalt  }
0x53: {  	_ =	shalt  }
0x54: {  	_ =	shalt  }
0x55: {  	_ =	shalt  }
0x56: {  	_ =	shalt  }
0x57: {  	_ =	shalt  }
0x58: {  	_ =	shalt  }
0x59: {  	_ =	shalt  }
0x5a: {  	_ =	shalt  }
0x5b: {  	_ =	shalt  }
0x5c: {  	_ =	shalt  }
0x5d: {  	_ =	shalt  }
0x5e: {  	_ =	shalt  }
0x5f: {  	_ =	shalt  }
0x60: {  	_ =	shalt  }
0x61: {  	_ =	shalt  }
0x62: {  	_ =	shalt  }
0x63: {  	_ =	shalt  }
0x64: {  	_ =	shalt  }
0x65: {  	_ =	shalt  }
0x66: {  	_ =	shalt  }
0x67: {  	_ =	shalt  }
0x68: {  	_ =	shalt  }
0x69: {  	_ =	shalt  }
0x6a: {  	_ =	shalt  }
0x6b: {  	_ =	shalt  }
0x6c: {  	_ =	shalt  }
0x6d: {  	_ =	shalt  }
0x6e: {  	_ =	shalt  }
0x6f: {  	_ =	shalt  }
0x70: {  	_ =	shalt  }
0x71: {  	_ =	shalt  }
0x72: {  	_ =	shalt  }
0x73: {  	_ =	shalt  }
0x74: {  	_ =	shalt  }
0x75: {  	_ =	shalt  }
0x76: {  	_ =	shalt  }
0x77: {  	_ =	shalt  }
0x78: {  	_ =	shalt  }
0x79: {  	_ =	shalt  }
0x7a: {  	_ =	shalt  }
0x7b: {  	_ =	shalt  }
0x7c: {  	_ =	shalt  }
0x7d: {  	_ =	shalt  }
0x7e: {  	_ =	shalt  }
0x7f: {  	_ =	shalt  }
0x80: {  	_ =	shalt  }
0x81: {  	_ =	shalt  }
0x82: {  	_ =	shalt  }
0x83: {  	_ =	shalt  }
0x84: {  	_ =	shalt  }
0x85: {  	_ =	shalt  }
0x86: {  	_ =	shalt  }
0x87: {  	_ =	shalt  }
.Lfunc_end0:
.L_simem_size_0:
called_computation.2_lowered:
.L_overlay_start_0:
0x88: {  	s2 =	sld [smem:$0x3FD9]  }
0x89: {  	s3 =	sld [smem:$0x3FFE];
	_ =	sdelay $0x1  }
0x8a: {  	s1 =	srdreg.scid  }
0x8b: {  	s0 =	sand.u32 $0x1, s1  }
0x8c: {  	s17 =	sshll.u32 s0, $0xA;
	s2 =	sadd.s32 s3, s2  }
0x8d: {  	s2 =	sadd.s32 s2, s17  }
0x8e: {  	[smem:$0x3FC2] =	sst s2  }
0x8f: {  	_ = 	snop  }
0x90: {  	s2 =	sld [smem:$0x3FD0];
	(tm) =	ssettm $0x1  }
0x91: {  	s18 =	sld [smem:$0x3FFB];
	_ =	sdelay $0x3  }
0x92: {  	_ =	strace s18  }
0x93: {  	s3 =	sld [smem:$0x3FFC];
	_ =	sdelay $0x3  }
0x94: {  	_ =	strace s3  }
0x95: {  	s3 =	sld [smem:$0x3FFD];
	_ =	sdelay $0x3  }
0x96: {  	_ =	strace s3  }
0x97: {  	_ =	strace $0x8FFFFFFF  }
0x98: {  	s19 =	sld [smem:$0x3FDB];
	_ =	sdelay $0x1  }
0x99: {  	s4 =	simm.s32 $_scs_section_size  }
0x9a: {  	s5 =	simm.s32 $_size__tile_overlayer_lowered;
	s6 =	simm.s32 $_tile_overlayer_lowered  }
0x9b: {  	s22 =	simm.s32 $0x1BFF;
	s21 =	sshll.u32 s6, $0x1;
	s3 =	sadd.s32 s4, s19  }
0x9c: {  	s7 =	simm.s32 $0x0;
	s20 =	sshll.u32 s5, $0x1;
	s5 =	sadd.s32 s21, s3  }
0x9d: {  	[timem:s7], [sflag:s22] =	dma.local [hbm:s5], s20  }
0x9e: {  	_ =	swait.ge [sflag:s22], s20  }
0x9f: {  	s4 =	ssub.s32 $0x0, s20;
	[sflag:s22] =	ssyncset.done $0x0  }
0xa0: {  	[sflag:s22] =	ssyncadd.s32 s4;
	_ =	sdelay $0x1  }
0xa1: {  	s23 =	simm.s32 $0x1B8B  }
0xa2: {  	_ =	swait.ge [sflag:s23], $0x1  }
0xa3: {  	[sflag:s23] =	ssyncset.done $0x0  }
0xa4: {  	s25 =	simm.s32 $0x1B8E;
	s24 =	sld [smem:$0x3FFE];
	[sflag:s23] =	ssyncadd.s32 $0xFFFFFFFF  }
0xa5: {  	s26 =	simm.s32 $execute0_lowered;
	[smem:$0x3FD2] =	sst s25  }
0xa6: {  	s5 =	sshll.u32 s26, $0x1;
	_ =	strace $0x8000004C;
	[dreg:$0x1] =	wrdreg $0xFFFFFFFF  }
0xa7: {  	s28 =	simm.s32 $_size_execute0_lowered;
	s3 =	sadd.s32 s3, s5;
	[dreg:$0x0] =	wrdreg $0x0  }
0xa8: {  	s5 =	sshll.u32 s28, $0x1;
	[dreg:$0x2] =	wrdreg s3  }
0xa9: {  	[dreg:$0x3] =	wrdreg s5  }
0xaa: {  	[dreg:$0x4] =	wrdreg $0xC0  }
0xab: {  	_ =	task [dreg:s7], $0x5FFFF  }
0xac: {  	[dreg:$0x1] =	wrdreg $0xFFFFFFFF  }
0xad: {  	[dreg:$0x0] =	wrdreg $0x60  }
0xae: {  	[dreg:$0x2] =	wrdreg s2  }
0xaf: {  	[dreg:$0x3] =	wrdreg s24  }
0xb0: {  	[dreg:$0x4] =	wrdreg $0x41000  }
0xb1: {  	[dreg:$0x5] =	wrdreg $0x9  }
0xb2: {  	_ =	task.clear_ibuf [dreg:s7], $0x6FFFF;
	_ =	strace $0x9000004C  }
0xb3: {  	s29 =	simm.s32 $0x9;
	_ =	strace $0x8000004E  }
0xb4: {  	_ =	swait.ge [sflag:s29], $0x1  }
0xb5: {  	[sflag:s29] =	ssyncadd.s32 $0xFFFFFFFF  }
0xb6: {  	_ =	strace $0x9000004E  }
0xb7: {  	_ =	sfence  }
0xb8: {  	s30 =	sld [smem:$0x0];
	_ =	sdelay $0x2  }
0xb9: {  	s31 =	sshll.u32 s1, $0xD;
	s1 =	sshrl.u32 s1, $0x2  }
0xba: {  	s3 =	sand.u32 $0x4000, s31;
	s1 =	sadd.s32 s1, s30  }
0xbb: {  	s0 =	sor.u32 s3, s0;
	s1 =	sshll.u32 s1, $0x11  }
0xbc: {  	s0 =	sor.u32 s1, s0  }
0xbd: {  	s0 =	sadd.s32 $0x8F2B, s0  }
0xbe: {  	[sflag:s0] =	ssyncadd.remote.s32 $0x1  }
0xbf: {  	_ =	sfence.sel $0xFFFF  }
0xc0: {  	[dreg:$0x0] =	wrdreg $0xFFFFFFFF;
	(pc) =	sbr.abs _section_cstart, $3  }
0xc1: {  	[dreg:$0x1] =	wrdreg $0xFFFFFFFF  }
0xc2: {  	_ =	task.clear_ibuf [dreg:s7], $0x2FFFF;
	_ =	strace $0x9FFFFFFF  }
0xc3: {  	(tm) =	ssettm $0x7FFFFFFF  }
tec
execute0_lowered:
.L_overlay_start_1:
0x0: {  	(tag) =	ssettag $0x1  }
0x1: {  	s1 =	rddreg [dreg:$0x0]  }
0x2: {  	s5 =	rddreg [dreg:$0x1]  }
0x3: {  	s2 =	rddreg [dreg:$0x2]  }
0x4: {  	s3 =	srdreg.scid;
	s0 =	rddreg [dreg:$0x3];
	s4 =	simm.s32 $0x0  }
0x5: {  	s13 =	simm.s32 $0x100;
	s14 =	simm.s32 $0x1;
	s15 =	simm.s32 $0x80  }
0x6: {  	s19 =	simm.s32 $0x0;
	s6 =	sand.u32 $0x1, s3;
	s3 =	stileid.u32  }
0x7: {  	[smem:$0x7FF] =	sst s4;
	s7 =	smul.u32 $0x28000, s6;
	s8 =	sshll.u32 s6, $0x8  }
0x8: {  	s9 =	smul.u32 $0x50000, s3;
	_ =	strace $0x8000004D;
	s6 =	ssub.s32 $0x2, s6  }
0x9: {  	s30 =	sshll.u32 s3, $0x4;
	s17 =	smul.u32 $0x2800, s3;
	s31 =	sshll.u32 s3, $0x6  }
0xa: {  	s10 =	sadd.s32 s8, s5;
	s28 =	sshrl.u32 s6, $0x1;
	s7 =	sadd.s32 s7, s5  }
0xb: {  	s29 =	sshrl.u32 s9, $0x2;
	s6 =	ssub.s32 s6, s28;
	s12 =	sadd.s32 s30, s10  }
0xc: {  	s5 =	sadd.s32 s29, s2;
	s16 =	sadd.s32 $0x15A00, s7;
	s6 =	smax.u32 s6, $0x1  }
0xd: {  	s11 =	sadd.s32 $0xBC00, s12;
	s12 =	sadd.s32 $0x1E00, s12;
	s7 =	sadd.s32 $0x4000, s5  }
0xe: {  	s8 =	sadd.s32 $0x8000, s5;
	s9 =	sadd.s32 $0xC000, s5;
	s10 =	sadd.s32 $0x10000, s5  }
0xf: {  	v0 =	vimm.f32 $0.0e+00;
	s16 =	sadd.s32 s17, s16;
	s17 =	sor.u32 $0x1C01, s31;
	s18 =	sshrl.u32 s5, $0x3  }
.LBB2_1:
0x10: {  	s20 =	simm.s32 $0x0;
	s21 =	simm.s32 $0x200  }
.LBB2_2:
0x11: {  	p0 =	sne.s32 s21, $0xFE00;
	[tilespmem:s20+$0x170] =	vst v0  }
0x12: {  	[tilespmem:s20+$0x100] =	vst v0  }
0x13: {  	[tilespmem:s20+$0x110] =	vst v0  }
.Ltmp0:
0x14: {  	[tilespmem:s20+$0x120] =	vst v0;
	(pc) =	sbr.rel @p0 .LBB2_2-.Ltmp0, $4  }
0x15: {  	[tilespmem:s20+$0x130] =	vst v0  }
0x16: {  	[tilespmem:s20+$0x140] =	vst v0  }
0x17: {  	[tilespmem:s20+$0x150] =	vst v0  }
0x18: {  	[tilespmem:s20+$0x160] =	vst v0;
	s20 =	sshra.s32 s21, $0x2;
	s21 =	sadd.s32 $0x200, s21  }
0x19: {  	[tilespmem:s20+$0x170] =	vst v0  }
0x1a: {  	[tilespmem:s20+$0x100] =	vst v0  }
0x1b: {  	[tilespmem:s20+$0x110] =	vst v0  }
0x1c: {  	[tilespmem:s20+$0x120] =	vst v0  }
0x1d: {  	[tilespmem:s20+$0x130] =	vst v0  }
0x1e: {  	[tilespmem:s20+$0x140] =	vst v0  }
0x1f: {  	[tilespmem:s20+$0x150] =	vst v0  }
0x20: {  	[tilespmem:s20+$0x160] =	vst v0  }
0x21: {  	[spmem:s5] =	stream.linear.scatter [tilespmem:s13], [sflag:$0x1], $0x4000, $0x38;
	[tilespmem:$0x18100] =	vst v63  }
0x22: {  	_ =	swait.ge [sflag:s14], $0x4000  }
0x23: {  	[sflag:s14] =	ssyncset.done $0x0  }
0x24: {  	[sflag:s14] =	ssyncadd.s32 $0xFFFFC000  }
0x25: {  	[spmem:s7] =	stream.linear.scatter [tilespmem:s13], [sflag:$0x1], $0x4000, $0x38;
	[tilespmem:$0x18100] =	vst v63  }
0x26: {  	_ =	swait.ge [sflag:s14], $0x4000  }
0x27: {  	[sflag:s14] =	ssyncset.done $0x0  }
0x28: {  	[sflag:s14] =	ssyncadd.s32 $0xFFFFC000  }
0x29: {  	[spmem:s8] =	stream.linear.scatter [tilespmem:s13], [sflag:$0x1], $0x4000, $0x38;
	[tilespmem:$0x18100] =	vst v63  }
0x2a: {  	_ =	swait.ge [sflag:s14], $0x4000  }
0x2b: {  	[sflag:s14] =	ssyncset.done $0x0  }
0x2c: {  	[sflag:s14] =	ssyncadd.s32 $0xFFFFC000  }
0x2d: {  	[spmem:s9] =	stream.linear.scatter [tilespmem:s13], [sflag:$0x1], $0x4000, $0x38;
	[tilespmem:$0x18100] =	vst v63  }
0x2e: {  	_ =	swait.ge [sflag:s14], $0x4000  }
0x2f: {  	[sflag:s14] =	ssyncset.done $0x0  }
0x30: {  	[sflag:s14] =	ssyncadd.s32 $0xFFFFC000  }
0x31: {  	[spmem:s10] =	stream.linear.scatter [tilespmem:s13], [sflag:$0x1], $0x4000, $0x38;
	[tilespmem:$0x18100] =	vst v63  }
0x32: {  	_ =	swait.ge [sflag:s14], $0x4000  }
0x33: {  	[sflag:s14] =	ssyncset.done $0x0  }
0x34: {  	[sflag:s14] =	ssyncadd.s32 $0xFFFFC000  }
0x35: {  	s30 =	sadd.s32 $0x0, s11;
	[bflag:$0x0] =	sbarrier.arrive $0xFFFF  }
0x36: {  	[tilespmem:s4], [sflag:$0x1] =	stream.linear.gather [hbm4b:s30+s4], $0x80, $0x38;
	[tilespmem:$0x18100] =	vst v63  }
0x37: {  	_ =	swait.ge [sflag:s14], $0x80  }
0x38: {  	[sflag:s14] =	ssyncset.done $0x0  }
0x39: {  	s31 =	sadd.s32 $0x0, s12;
	[sflag:s14] =	ssyncadd.s32 $0xFFFFFF80  }
0x3a: {  	[tilespmem:s15], [sflag:$0x1] =	stream.linear.gather [hbm4b:s31+s4], $0x80, $0x38;
	[tilespmem:$0x18100] =	vst v63  }
0x3b: {  	_ =	swait.ge [sflag:s14], $0x80  }
0x3c: {  	[sflag:s14] =	ssyncset.done $0x0  }
0x3d: {  	[sflag:s14] =	ssyncadd.s32 $0xFFFFFF80  }
0x3e: {  	[tilespmem:s13], [sflag:$0x1] =	stream.indirect.gather [hbm4b:s1+s15], $0x80, s4, s15, $0xb8;
	[tilespmem:$0x18100] =	vst v63  }
0x3f: {  	_ =	swait.ge [sflag:s14], $0x4000  }
0x40: {  	[sflag:s14] =	ssyncset.done $0x0  }
0x41: {  	[sflag:s14] =	ssyncadd.s32 $0xFFFFC000  }
0x42: {  	[spmem:s2] =	stream.indirect.scatter.add.f32 [tilespmem:s13], [sflag:$0x1], $0x80, s15, s15, $0xb8;
	[tilespmem:$0x18100] =	vst v63  }
0x43: {  	_ =	swait.ge [sflag:s14], $0x4000  }
0x44: {  	s20 =	simm.s32 $0x200;
	s21 =	simm.s32 $0x400;
	[sflag:s14] =	ssyncset.done $0x0  }
.LBB2_4:
0x45: {  	s22 =	sadd.s32 s20, s11  }
0x46: {  	[sflag:s14] =	ssyncadd.s32 $0xFFFFC000;
	s23 =	smov.u32 s21;
	s24 =	sadd.s32 $0x200, s21  }
0x47: {  	[tilespmem:s4], [sflag:$0x1] =	stream.linear.gather [hbm4b:s22+s4], $0x80, $0x38;
	[tilespmem:$0x18100] =	vst v63  }
0x48: {  	p0 =	sne.s32 s21, $0x9C00;
	_ =	swait.ge [sflag:s14], $0x80  }
0x49: {  	[sflag:s14] =	ssyncset.done $0x0  }
0x4a: {  	s21 =	sadd.s32 s20, s12;
	s20 =	smov.u32 s23;
	[sflag:s14] =	ssyncadd.s32 $0xFFFFFF80  }
0x4b: {  	[tilespmem:s15], [sflag:$0x1] =	stream.linear.gather [hbm4b:s21+s4], $0x80, $0x38;
	[tilespmem:$0x18100] =	vst v63  }
0x4c: {  	_ =	swait.ge [sflag:s14], $0x80  }
0x4d: {  	[sflag:s14] =	ssyncset.done $0x0  }
0x4e: {  	[sflag:s14] =	ssyncadd.s32 $0xFFFFFF80  }
0x4f: {  	[tilespmem:s13], [sflag:$0x1] =	stream.indirect.gather [hbm4b:s1+s15], $0x80, s4, s15, $0xb8;
	[tilespmem:$0x18100] =	vst v63  }
0x50: {  	_ =	swait.ge [sflag:s14], $0x4000  }
.Ltmp1:
0x51: {  	[sflag:s14] =	ssyncset.done $0x0;
	(pc) =	sbr.rel @p0 .LBB2_4-.Ltmp1, $4  }
0x52: {  	[sflag:s14] =	ssyncadd.s32 $0xFFFFC000  }
0x53: {  	[spmem:s2] =	stream.indirect.scatter.add.f32 [tilespmem:s13], [sflag:$0x1], $0x80, s15, s15, $0xb8;
	[tilespmem:$0x18100] =	vst v63  }
0x54: {  	_ =	swait.ge [sflag:s14], $0x4000  }
0x55: {  	s21 =	smov.u32 s24;
	[sflag:s14] =	ssyncset.done $0x0  }
0x56: {  	s21 =	sadd.s32 s20, s11;
	[sflag:s14] =	ssyncadd.s32 $0xFFFFC000  }
0x57: {  	[tilespmem:s4], [sflag:$0x1] =	stream.linear.gather [hbm4b:s21+s4], $0x80, $0x38;
	[tilespmem:$0x18100] =	vst v63  }
0x58: {  	_ =	swait.ge [sflag:s14], $0x80  }
0x59: {  	[sflag:s14] =	ssyncset.done $0x0  }
0x5a: {  	s31 =	sadd.s32 s20, s12;
	[sflag:s14] =	ssyncadd.s32 $0xFFFFFF80  }
0x5b: {  	[tilespmem:s15], [sflag:$0x1] =	stream.linear.gather [hbm4b:s31+s4], $0x80, $0x38;
	[tilespmem:$0x18100] =	vst v63  }
0x5c: {  	_ =	swait.ge [sflag:s14], $0x80  }
0x5d: {  	[sflag:s14] =	ssyncset.done $0x0  }
0x5e: {  	[sflag:s14] =	ssyncadd.s32 $0xFFFFFF80  }
0x5f: {  	[tilespmem:s13], [sflag:$0x1] =	stream.indirect.gather [hbm4b:s1+s15], $0x80, s4, s15, $0xb8;
	[tilespmem:$0x18100] =	vst v63  }
0x60: {  	_ =	swait.ge [sflag:s14], $0x4000  }
0x61: {  	[sflag:s14] =	ssyncset.done $0x0  }
0x62: {  	[sflag:s14] =	ssyncadd.s32 $0xFFFFC000  }
0x63: {  	[spmem:s2] =	stream.indirect.scatter.add.f32 [tilespmem:s13], [sflag:$0x1], $0x80, s15, s15, $0xb8;
	[tilespmem:$0x18100] =	vst v63  }
0x64: {  	_ =	swait.ge [sflag:s14], $0x4000  }
0x65: {  	s19 =	sadd.s32 $0x1, s19;
	[sflag:s14] =	ssyncset.done $0x0  }
0x66: {  	p0 =	sne.s32 s19, s6;
	[sflag:s14] =	ssyncadd.s32 $0xFFFFC000  }
.Ltmp2:
0x67: {  	[bflag:$0x0] =	sbarrier.arrive $0xFFFF;
	(pc) =	sbr.rel @p0 .LBB2_1-.Ltmp2, $4  }
0x68: {  	[hbm:s16], [sflag:s17] =	dma.local [spmem:s18], $0x2800  }
0x69: {  	_ =	swait.ge [sflag:s14], $0x2800  }
0x6a: {  	[sflag:s14] =	ssyncset.done $0x0  }
0x6b: {  	[sflag:s14] =	ssyncadd.s32 $0xFFFFD800  }
0x6c: {  	_ =	sfence.sel $0x180000  }
0x6d: {  	[bflag:$0x0] =	sbarrier.arrive $0xFFFF  }
0x6e: {  	p0 =	sne.s32 s3, $0x0;
	_ =	strace $0x9000004D  }
0x6f: {  	s0 =	sadd.s32 @!p0 $0x100000, s0;
	[bflag:$0x2] =	sbarrier.arrive $0xFFFF  }
0x70: {  	[sflag:s0] =	ssyncadd.tile.s32 @!p0 $0x1;
	_ =	shalt  }
.Lfunc_end2:
_tile_overlayer_lowered:
.L_overlay_start_2:
0x71: {  	(tag) =	ssettag $0x2  }
0x72: {  	s0 =	rddreg [dreg:$0x0];
	s2 =	stileid.u32  }
0x73: {  	s1 =	rddreg [dreg:$0x1];
	p0 =	sne.s32 s2, $0x0  }
0x74: {  	s3 =	rddreg [dreg:$0x2];
	[bflag:$0x3] =	sbarrier.arrive $0xFFFF;
	s2 =	simm.s32 @!p0 $0x1C01  }
0x75: {  	[timem:s3], [sflag:s2] =	dma.local @!p0 [hbm:s0], s1  }
0x76: {  	s0 =	simm.s32 @!p0 $0x1  }
0x77: {  	_ =	swait.ge @!p0 [sflag:s0], s1  }
0x78: {  	s1 =	ssub.s32 @!p0 $0x0, s1;
	[sflag:s0] =	ssyncset.done @!p0 $0x0  }
0x79: {  	[sflag:s0] =	ssyncadd.s32 @!p0 s1  }
0x7a: {  	[bflag:$0x3] =	sbarrier.arrive $0xFFFF  }
0x7b: {  	_ =	shalt  }

// kernel: kernel.9.cloned.1.call-start
scs
__scs_entry_jumppad:
0x0: {  	(pc) =	sbr.rel $0x88, $3  }
0x1: {  	(tag) =	ssettag $0x0;
	lr =	simm.s32 $0x1  }
0x2: {  	[smem:$0x3F9B] =	sst lr;
	_ =	strace $0xD0000000  }
0x3: {  	_ = 	snop  }
0x4: {  	_ = 	snop  }
0x5: {  	_ = 	snop  }
0x6: {  	_ = 	snop  }
0x7: {  	_ = 	snop  }
__scs_overlays_trampoline_lowered:
0x8: {  	[smem:$0x3FAA] =	sst s0  }
0x9: {  	[smem:$0x3FAB] =	sst s1  }
0xa: {  	[smem:$0x3FAC] =	sst s2  }
0xb: {  	[smem:$0x3FAD] =	sst s3  }
0xc: {  	[smem:$0x3FAE] =	sst s4  }
0xd: {  	[smem:$0x3FAF] =	sst s5  }
0xe: {  	[smem:$0x3FB0] =	sst s6  }
0xf: {  	[smem:$0x3FB1] =	sst s7  }
0x10: {  	[smem:$0x3FB2] =	sst s8  }
0x11: {  	[smem:$0x3FB3] =	sst s9;
	s0 =	simm.s32 @!p0 $0x0  }
0x12: {  	s1 =	sld [smem:$0x3F99];
	s0 =	simm.s32 @p0 $0x1  }
0x13: {  	[smem:$0x3FB4] =	sst s0;
	s0 =	simm.s32 @!p1 $0x0  }
0x14: {  	s2 =	sld [smem:$0x3F98];
	s0 =	simm.s32 @p1 $0x1  }
0x15: {  	[smem:$0x3FB5] =	sst s0;
	s0 =	simm.s32 @!p2 $0x0  }
0x16: {  	s3 =	sld [smem:$0x3FDB];
	s0 =	simm.s32 @p2 $0x1  }
0x17: {  	s4 =	simm.s32 $0x1BF5;
	[smem:$0x3FB7] =	sst s0  }
0x18: {  	s0 =	sld [smem:$0x3F9A];
	_ =	swait.ge [sflag:s4], $0x0  }
0x19: {  	s7 =	sld [smem:$0x3F9B]  }
0x1a: {  	s8 =	sadd.s32 $0xFFFFE003, lr  }
0x1b: {  	s9 =	sadd.s32 $0xFFFFFEF7, lr;
	s5 =	simm.s32 $0xFFFFFFFF;
	p2 =	slt.u32 s8, $0xFFFFF086  }
0x1c: {  	p1 =	slt.u32 s9, $0xF7A;
	s5 =	simm.s32 @!p2 $0x0  }
0x1d: {  	s5 =	simm.s32 @p1 $0x1;
	p0 =	seq.s32 s7, s2  }
0x1e: {  	s7 =	smul.u32 @!p0 $0xF7A, s2;
	p2 =	seq.s32 @!p0 s5, $0x0  }
0x1f: {  	s9 =	smul.u32 $0xF7A, s1;
	s8 =	simm.s32 @!p0 $0x1BF5;
	p2 =	por !p2, p0  }
0x20: {  	[sflag:s8] =	ssyncset.s32 @!p0 $0xFFFFF086;
	s6 =	sadd.s32 @!p0 s3, s7;
	s7 =	simm.s32 @!p0 $0x108  }
0x21: {  	s3 =	sadd.s32 s3, s9;
	s6 =	sadd.s32 @!p0 $0x88, s6;
	s7 =	simm.s32 @p2 $0x1082  }
0x22: {  	[simem:s7], [sflag:s8] =	dma.local @!p0 [hbm:s6], $0xF7A  }
0x23: {  	s9 =	sor.u32 $0xD0000000, s2;
	s6 =	simm.s32 $0x108;
	_ =	swait.ge @!p0 [sflag:s8], $0x0  }
0x24: {  	s3 =	sadd.s32 $0x88, s3;
	s6 =	simm.s32 @!p1 $0x1082;
	[sflag:s4] =	ssyncset.s32 $0xFFFFF086  }
0x25: {  	[simem:s6], [sflag:s4] =	dma.local [hbm:s3], $0xF7A  }
0x26: {  	[smem:$0x3F9B] =	sst s1;
	(tag) =	ssettag s2;
	_ =	strace s9  }
0x27: {  	s1 =	sld [smem:$0x3FAB]  }
0x28: {  	s2 =	sld [smem:$0x3FAC]  }
0x29: {  	s4 =	sld [smem:$0x3FAE]  }
0x2a: {  	p0 =	seq.s32 s5, $0x0;
	s5 =	sld [smem:$0x3FAF]  }
0x2b: {  	s6 =	sld [smem:$0x3FB0]  }
0x2c: {  	s7 =	sld [smem:$0x3FB1]  }
0x2d: {  	s3 =	simm.s32 $0x108;
	s8 =	sld [smem:$0x3FB2]  }
0x2e: {  	s3 =	simm.s32 @!p0 $0x1082;
	s9 =	sld [smem:$0x3FB3]  }
0x2f: {  	lr =	sadd.s32 s0, s3;
	s0 =	sld [smem:$0x3FAA]  }
0x30: {  	s3 =	sld [smem:$0x3FAD]  }
0x31: {  	[smem:$0x3FB6] =	sst s10  }
0x32: {  	s10 =	sld [smem:$0x3FB4];
	_ =	sdelay $0x3  }
0x33: {  	p0 =	seq.s32 s10, $0x1;
	s10 =	sld [smem:$0x3FB6];
	_ =	sdelay $0x3  }
0x34: {  	[smem:$0x3FB6] =	sst s10  }
0x35: {  	s10 =	sld [smem:$0x3FB5];
	_ =	sdelay $0x3  }
0x36: {  	p1 =	seq.s32 s10, $0x1;
	s10 =	sld [smem:$0x3FB6];
	_ =	sdelay $0x3  }
0x37: {  	[smem:$0x3FB6] =	sst s10  }
0x38: {  	s10 =	sld [smem:$0x3FB7]  }
0x39: {  	_ = 	snop;
	(pc) =	sbr.ind lr, $3  }
0x3a: {  	_ = 	snop  }
0x3b: {  	_ = 	snop  }
0x3c: {  	p2 =	seq.s32 s10, $0x1;
	s10 =	sld [smem:$0x3FB6]  }
0x3d: {  	_ =	shalt  }
0x3e: {  	_ =	shalt  }
0x3f: {  	_ =	shalt  }
0x40: {  	_ =	shalt  }
0x41: {  	_ =	shalt  }
0x42: {  	_ =	shalt  }
0x43: {  	_ =	shalt  }
0x44: {  	_ =	shalt  }
0x45: {  	_ =	shalt  }
0x46: {  	_ =	shalt  }
0x47: {  	_ =	shalt  }
0x48: {  	_ =	shalt  }
0x49: {  	_ =	shalt  }
0x4a: {  	_ =	shalt  }
0x4b: {  	_ =	shalt  }
0x4c: {  	_ =	shalt  }
0x4d: {  	_ =	shalt  }
0x4e: {  	_ =	shalt  }
0x4f: {  	_ =	shalt  }
0x50: {  	_ =	shalt  }
0x51: {  	_ =	shalt  }
0x52: {  	_ =	shalt  }
0x53: {  	_ =	shalt  }
0x54: {  	_ =	shalt  }
0x55: {  	_ =	shalt  }
0x56: {  	_ =	shalt  }
0x57: {  	_ =	shalt  }
0x58: {  	_ =	shalt  }
0x59: {  	_ =	shalt  }
0x5a: {  	_ =	shalt  }
0x5b: {  	_ =	shalt  }
0x5c: {  	_ =	shalt  }
0x5d: {  	_ =	shalt  }
0x5e: {  	_ =	shalt  }
0x5f: {  	_ =	shalt  }
0x60: {  	_ =	shalt  }
0x61: {  	_ =	shalt  }
0x62: {  	_ =	shalt  }
0x63: {  	_ =	shalt  }
0x64: {  	_ =	shalt  }
0x65: {  	_ =	shalt  }
0x66: {  	_ =	shalt  }
0x67: {  	_ =	shalt  }
0x68: {  	_ =	shalt  }
0x69: {  	_ =	shalt  }
0x6a: {  	_ =	shalt  }
0x6b: {  	_ =	shalt  }
0x6c: {  	_ =	shalt  }
0x6d: {  	_ =	shalt  }
0x6e: {  	_ =	shalt  }
0x6f: {  	_ =	shalt  }
0x70: {  	_ =	shalt  }
0x71: {  	_ =	shalt  }
0x72: {  	_ =	shalt  }
0x73: {  	_ =	shalt  }
0x74: {  	_ =	shalt  }
0x75: {  	_ =	shalt  }
0x76: {  	_ =	shalt  }
0x77: {  	_ =	shalt  }
0x78: {  	_ =	shalt  }
0x79: {  	_ =	shalt  }
0x7a: {  	_ =	shalt  }
0x7b: {  	_ =	shalt  }
0x7c: {  	_ =	shalt  }
0x7d: {  	_ =	shalt  }
0x7e: {  	_ =	shalt  }
0x7f: {  	_ =	shalt  }
0x80: {  	_ =	shalt  }
0x81: {  	_ =	shalt  }
0x82: {  	_ =	shalt  }
0x83: {  	_ =	shalt  }
0x84: {  	_ =	shalt  }
0x85: {  	_ =	shalt  }
0x86: {  	_ =	shalt  }
0x87: {  	_ =	shalt  }
.Lfunc_end0:
.L_simem_size_0:
called_computation_lowered:
.L_overlay_start_0:
0x88: {  	s2 =	sld [smem:$0x3FD9]  }
0x89: {  	s3 =	sld [smem:$0x3FFE];
	_ =	sdelay $0x1  }
0x8a: {  	s1 =	srdreg.scid  }
0x8b: {  	s0 =	sand.u32 $0x1, s1  }
0x8c: {  	s17 =	sshll.u32 s0, $0xA;
	s2 =	sadd.s32 s3, s2  }
0x8d: {  	s2 =	sadd.s32 s2, s17  }
0x8e: {  	[smem:$0x3FC2] =	sst s2  }
0x8f: {  	_ = 	snop  }
0x90: {  	s2 =	sld [smem:$0x3FD0];
	(tm) =	ssettm $0x1  }
0x91: {  	s18 =	sld [smem:$0x3FFB];
	_ =	sdelay $0x3  }
0x92: {  	_ =	strace s18  }
0x93: {  	s3 =	sld [smem:$0x3FFC];
	_ =	sdelay $0x3  }
0x94: {  	_ =	strace s3  }
0x95: {  	s3 =	sld [smem:$0x3FFD];
	_ =	sdelay $0x3  }
0x96: {  	_ =	strace s3  }
0x97: {  	_ =	strace $0x8FFFFFFF  }
0x98: {  	s19 =	sld [smem:$0x3FDB];
	_ =	sdelay $0x1  }
0x99: {  	s4 =	simm.s32 $_scs_section_size  }
0x9a: {  	s5 =	simm.s32 $_size__tile_overlayer_lowered;
	s6 =	simm.s32 $_tile_overlayer_lowered  }
0x9b: {  	s22 =	simm.s32 $0x1BFF;
	s21 =	sshll.u32 s6, $0x1;
	s3 =	sadd.s32 s4, s19  }
0x9c: {  	s7 =	simm.s32 $0x0;
	s20 =	sshll.u32 s5, $0x1;
	s5 =	sadd.s32 s21, s3  }
0x9d: {  	[timem:s7], [sflag:s22] =	dma.local [hbm:s5], s20  }
0x9e: {  	_ =	swait.ge [sflag:s22], s20  }
0x9f: {  	s4 =	ssub.s32 $0x0, s20;
	[sflag:s22] =	ssyncset.done $0x0  }
0xa0: {  	[sflag:s22] =	ssyncadd.s32 s4;
	_ =	sdelay $0x1  }
0xa1: {  	s23 =	simm.s32 $0x1B8B  }
0xa2: {  	_ =	swait.ge [sflag:s23], $0x1  }
0xa3: {  	[sflag:s23] =	ssyncset.done $0x0  }
0xa4: {  	s25 =	simm.s32 $0x1B8E;
	s24 =	sld [smem:$0x3FFE];
	[sflag:s23] =	ssyncadd.s32 $0xFFFFFFFF  }
0xa5: {  	s26 =	simm.s32 $execute0_lowered;
	[smem:$0x3FD2] =	sst s25  }
0xa6: {  	s5 =	sshll.u32 s26, $0x1;
	_ =	strace $0x80000046;
	[dreg:$0x1] =	wrdreg $0xFFFFFFFF  }
0xa7: {  	s28 =	simm.s32 $_size_execute0_lowered;
	s3 =	sadd.s32 s3, s5;
	[dreg:$0x0] =	wrdreg $0x0  }
0xa8: {  	s5 =	sshll.u32 s28, $0x1;
	[dreg:$0x2] =	wrdreg s3  }
0xa9: {  	[dreg:$0x3] =	wrdreg s5  }
0xaa: {  	[dreg:$0x4] =	wrdreg $0xC0  }
0xab: {  	_ =	task [dreg:s7], $0x5FFFF  }
0xac: {  	[dreg:$0x1] =	wrdreg $0xFFFFFFFF  }
0xad: {  	[dreg:$0x0] =	wrdreg $0x60  }
0xae: {  	[dreg:$0x2] =	wrdreg s24  }
0xaf: {  	[dreg:$0x3] =	wrdreg s2  }
0xb0: {  	[dreg:$0x4] =	wrdreg $0x9  }
0xb1: {  	_ =	task.clear_ibuf [dreg:s7], $0x5FFFF;
	_ =	strace $0x90000046  }
0xb2: {  	s29 =	simm.s32 $0x9;
	_ =	strace $0x80000048  }
0xb3: {  	_ =	swait.ge [sflag:s29], $0x1  }
0xb4: {  	[sflag:s29] =	ssyncadd.s32 $0xFFFFFFFF  }
0xb5: {  	_ =	strace $0x90000048  }
0xb6: {  	_ =	sfence  }
0xb7: {  	s30 =	sld [smem:$0x0];
	_ =	sdelay $0x2  }
0xb8: {  	s31 =	sshll.u32 s1, $0xD;
	s1 =	sshrl.u32 s1, $0x2  }
0xb9: {  	s3 =	sand.u32 $0x4000, s31;
	s1 =	sadd.s32 s1, s30  }
0xba: {  	s0 =	sor.u32 s3, s0;
	s1 =	sshll.u32 s1, $0x11  }
0xbb: {  	s0 =	sor.u32 s1, s0  }
0xbc: {  	s0 =	sadd.s32 $0x8F2B, s0  }
0xbd: {  	[sflag:s0] =	ssyncadd.remote.s32 $0x1  }
0xbe: {  	_ =	sfence.sel $0xFFFF  }
0xbf: {  	[dreg:$0x0] =	wrdreg $0xFFFFFFFF;
	(pc) =	sbr.abs _section_cstart, $3  }
0xc0: {  	[dreg:$0x1] =	wrdreg $0xFFFFFFFF  }
0xc1: {  	_ =	task.clear_ibuf [dreg:s7], $0x2FFFF;
	_ =	strace $0x9FFFFFFF  }
0xc2: {  	(tm) =	ssettm $0x7FFFFFFF  }
0xc3: {  	_ =	shalt  }
tec
execute0_lowered:
.L_overlay_start_1:
0x0: {  	(tag) =	ssettag $0x1  }
0x1: {  	s0 =	srdreg.scid  }
0x2: {  	s3 =	rddreg [dreg:$0x0];
	s4 =	sand.u32 $0x1, s0  }
0x3: {  	s5 =	rddreg [dreg:$0x1];
	s1 =	stileid.u32;
	s2 =	sshll.u32 s4, $0x4  }
0x4: {  	s0 =	rddreg [dreg:$0x2];
	s6 =	sor.u32 s1, s2  }
0x5: {  	s4 =	ssub.s32 $0x2, s4;
	s2 =	simm.s32 $0x0;
	s7 =	smul.u32 $0x4F0, s6  }
0x6: {  	s8 =	sshrl.u32 s4, $0x1;
	[smem:$0x7FF] =	sst s2;
	s6 =	smul.u32 $0x500, s6  }
0x7: {  	s31 =	ssub.s32 s4, s8;
	s8 =	simm.s32 $0x0;
	_ =	strace $0x80000047  }
0x8: {  	s3 =	sadd.s32 s7, s3;
	s4 =	sadd.s32 s5, s6;
	s5 =	smax.u32 s31, $0x1  }
0x9: {  	v0 =	vimm.f32 $0.0e+00;
	v1 =	vimm.f32 $1.000000000e+00;
	s6 =	simm.s32 $0x1;
	s7 =	simm.s32 $0x2780;
	s3 =	sadd.s32 $0x1E00, s3  }
.LBB2_1:
0xa: {  	s9 =	simm.s32 $0x0;
	s10 =	simm.s32 $0x200  }
.LBB2_2:
0xb: {  	p0 =	sne.s32 s10, $0x9E00;
	[tilespmem:s9+$0x27F0] =	vst v0  }
0xc: {  	[tilespmem:s9+$0x2780] =	vst v0  }
0xd: {  	[tilespmem:s9+$0x2790] =	vst v0  }
.Ltmp0:
0xe: {  	[tilespmem:s9+$0x27A0] =	vst v0;
	(pc) =	sbr.rel @p0 .LBB2_2-.Ltmp0, $4  }
0xf: {  	[tilespmem:s9+$0x27B0] =	vst v0  }
0x10: {  	[tilespmem:s9+$0x27C0] =	vst v0  }
0x11: {  	[tilespmem:s9+$0x27D0] =	vst v0  }
0x12: {  	[tilespmem:s9+$0x27E0] =	vst v0;
	s9 =	sshra.s32 s10, $0x2;
	s10 =	sadd.s32 $0x200, s10  }
0x13: {  	[tilespmem:s9+$0x27F0] =	vst v0  }
0x14: {  	[tilespmem:s9+$0x2780] =	vst v0  }
0x15: {  	[tilespmem:s9+$0x2790] =	vst v0  }
0x16: {  	[tilespmem:s9+$0x27A0] =	vst v0  }
0x17: {  	[tilespmem:s9+$0x27B0] =	vst v0  }
0x18: {  	[tilespmem:s9+$0x27C0] =	vst v0  }
0x19: {  	[tilespmem:s9+$0x27D0] =	vst v0  }
0x1a: {  	[tilespmem:s9+$0x27E0] =	vst v0;
	s31 =	simm.s32 $0x0  }
0x1b: {  	[tilespmem:s31], [sflag:$0x1] =	stream.linear.gather [hbm4b:s3+s31], $0x2780, $0x38;
	[tilespmem:$0x4F80] =	vst v63  }
0x1c: {  	_ =	swait.ge [sflag:s6], $0x2780  }
0x1d: {  	[sflag:s6] =	ssyncset.done $0x0  }
0x1e: {  	s10 =	simm.s32 $0x0;
	s9 =	simm.s32 $0x40;
	[sflag:s6] =	ssyncadd.s32 $0xFFFFD880  }
.LBB2_4:
0x1f: {  	p0 =	sne.s32 s9, $0x9DC0;
	v2 =	vld [tilespmem:s10+$0x0];
	_ =	sdelay $0x3  }
.Ltmp1:
0x20: {  	(pc) =	sbr.rel @p0 .LBB2_4-.Ltmp1, $2  }
0x21: {  	_ =	sdelay $0x2  }
0x22: {  	s10 =	sshra.s32 s9, $0x2;
	s9 =	sadd.s32 $0x40, s9;
	[tilespmem:v2+s7+$0x0] =	vst.idx.add.f32.msk $0xffff, v1  }
0x23: {  	v2 =	vld [tilespmem:s10+$0x0];
	_ =	sdelay $0x5  }
0x24: {  	s8 =	sadd.s32 $0x1, s8  }
0x25: {  	p0 =	sne.s32 s8, s5  }
.Ltmp2:
0x26: {  	[tilespmem:v2+s7+$0x0] =	vst.idx.add.f32.msk $0xffff, v1;
	(pc) =	sbr.rel @p0 .LBB2_1-.Ltmp2, $4  }
0x27: {  	[hbm4b:s4+s2] =	stream.linear.scatter [tilespmem:s7], [sflag:$0x1], $0x2800, $0x38;
	[tilespmem:$0x4F80] =	vst v63  }
0x28: {  	_ =	swait.ge [sflag:s6], $0x2800  }
0x29: {  	[sflag:s6] =	ssyncset.done $0x0  }
0x2a: {  	[sflag:s6] =	ssyncadd.s32 $0xFFFFD800  }
0x2b: {  	_ =	sfence.sel $0x180000  }
0x2c: {  	[bflag:$0x0] =	sbarrier.arrive $0xFFFF  }
0x2d: {  	p0 =	sne.s32 s1, $0x0;
	_ =	strace $0x90000047  }
0x2e: {  	s0 =	sadd.s32 @!p0 $0x100000, s0;
	[bflag:$0x2] =	sbarrier.arrive $0xFFFF  }
0x2f: {  	[sflag:s0] =	ssyncadd.tile.s32 @!p0 $0x1;
	_ =	shalt  }
.Lfunc_end2:
_tile_overlayer_lowered:
.L_overlay_start_2:
0x30: {  	(tag) =	ssettag $0x2  }
0x31: {  	s0 =	rddreg [dreg:$0x0];
	s2 =	stileid.u32  }
0x32: {  	s1 =	rddreg [dreg:$0x1];
	p0 =	sne.s32 s2, $0x0  }
0x33: {  	s3 =	rddreg [dreg:$0x2];
	[bflag:$0x3] =	sbarrier.arrive $0xFFFF;
	s2 =	simm.s32 @!p0 $0x1C01  }
0x34: {  	[timem:s3], [sflag:s2] =	dma.local @!p0 [hbm:s0], s1  }
0x35: {  	s0 =	simm.s32 @!p0 $0x1  }
0x36: {  	_ =	swait.ge @!p0 [sflag:s0], s1  }
0x37: {  	s1 =	ssub.s32 @!p0 $0x0, s1;
	[sflag:s0] =	ssyncset.done @!p0 $0x0  }
0x38: {  	[sflag:s0] =	ssyncadd.s32 @!p0 s1  }
0x39: {  	[bflag:$0x3] =	sbarrier.arrive $0xFFFF  }
0x3a: {  	_ =	shalt  }

</sc_bundles>
